<compile_context>
chip_gen: v7x
topology: tpu7x:2x2x1
jax: 0.10.2.dev20260603
libtpu: 0.0.44.dev20260713+nightly
codegen_flags: <defaults>
</compile_context>

<pallas_src>
import jax
import jax.numpy as jnp
from jax import lax
from jax.experimental import pallas as pl
from jax.experimental.pallas import tpu as pltpu
from jax.experimental.pallas import tpu_sc as plsc

_EPS = 1e-7
_NROWS = 16 * 4096

_LOG_C = (
    5.2394028874175125e-09, 0.9999989105817855, -0.49996224451705595,
    0.3328184253970012, -0.24635660615360822, 0.1846884845693283,
    -0.1252666142975055, 0.06651247927128298, -0.023038279918234178,
    0.0037526242125783815,
)
_LN2 = 0.6931471805599453


def _vlog(u):
    i = plsc.bitcast(u, jnp.int32)
    e = lax.shift_right_logical(i, 23) - 127
    m = plsc.bitcast(
        lax.bitwise_or(lax.bitwise_and(i, 0x007FFFFF), 0x3F800000),
        jnp.float32)
    t = m - 1.0
    acc = jnp.full((16,), _LOG_C[9], jnp.float32)
    for k in range(8, -1, -1):
        acc = acc * t + _LOG_C[k]
    return e.astype(jnp.float32) * _LN2 + acc


def _sc_body(yt_hbm, yp_hbm, out_hbm, yt_v, yp_v, out_v, sem):
    cid = lax.axis_index("c")
    sid = lax.axis_index("s")
    wid = sid * 2 + cid
    r0 = cid * 8
    c0 = sid * 256

    copies = []
    for tc in range(2):
        src_t = yt_hbm.at[:, pl.ds(r0, 8), pl.ds(c0 + 128 * tc, 128)]
        src_p = yp_hbm.at[:, pl.ds(r0, 8), pl.ds(c0 + 128 * tc, 128)]
        copies.append(pltpu.async_copy(src_t, yt_v.at[:, tc], sem))
        copies.append(pltpu.async_copy(src_p, yp_v.at[:, tc], sem))

    def body(g, carry):
        accf, acci, accp = carry
        tc = lax.shift_right_logical(g, 6)
        r = lax.bitwise_and(lax.shift_right_logical(g, 3), 7)
        col = lax.bitwise_and(g, 7) * 16
        sl = pl.ds(col, 16)
        t = yt_v[0, tc, r, sl]
        x = yp_v[0, tc, r, sl]
        yt1 = yt_v[1, tc, r, sl]
        yt2 = yt_v[2, tc, r, sl]
        yt3 = yt_v[3, tc, r, sl]
        yt4 = yt_v[4, tc, r, sl]
        yp1 = yp_v[1, tc, r, sl]
        yp2 = yp_v[2, tc, r, sl]
        yp3 = yp_v[3, tc, r, sl]
        yp4 = yp_v[4, tc, r, sl]

        c1 = t == 1.0

        z = jnp.where(c1, x, -x)
        q = 1.0 / (1.0 + jnp.exp(-z))
        w = jnp.where(c1, 0.25, 0.75)
        omq = 1.0 - q
        focal = w * (omq * omq) * _vlog(q + _EPS)

        a_t = (yt3 + yt1) * (yt4 + yt2)
        a_p = jnp.maximum((yp3 + yp1) * (yp4 + yp2), 0.0)
        xi = jnp.maximum(jnp.minimum(yt3, yp3) + jnp.minimum(yt1, yp1), 0.0)
        yi = jnp.maximum(jnp.minimum(yt4, yp4) + jnp.minimum(yt2, yp2), 0.0)
        a_i = xi * yi
        ious = a_i / (a_t + a_p - a_i + _EPS)
        li = jnp.where(c1, _vlog(ious + _EPS), 0.0)

        return (accf + focal,
                acci + li,
                accp + jnp.where(c1, 1.0, 0.0))

    zeros = jnp.zeros((16,), jnp.float32)
    copies[0].wait()
    copies[1].wait()
    accf, acci, accp = lax.fori_loop(0, 64, body, (zeros, zeros, zeros))
    copies[2].wait()
    copies[3].wait()
    accf, acci, accp = lax.fori_loop(64, 128, body, (accf, acci, accp))

    s0 = jnp.sum(accf)
    s1 = jnp.sum(acci)
    s2 = jnp.sum(accp)
    lane = lax.iota(jnp.int32, 16)
    out_v[...] = jnp.where(
        lane == 0, s0,
        jnp.where(lane == 1, s1,
                  jnp.where(lane == 2, s2, 0.0)))
    pltpu.sync_copy(out_v, out_hbm.at[wid])


_sc_call = pl.kernel(
    _sc_body,
    out_type=jax.ShapeDtypeStruct((32, 16), jnp.float32),
    mesh=plsc.VectorSubcoreMesh(core_axis_name="c", subcore_axis_name="s"),
    scratch_types=[
        pltpu.VMEM((5, 2, 8, 128), jnp.float32),
        pltpu.VMEM((5, 2, 8, 128), jnp.float32),
        pltpu.VMEM((16,), jnp.float32),
        pltpu.SemaphoreType.DMA,
    ],
    compiler_params=pltpu.CompilerParams(
        needs_layout_passes=False, use_tc_tiling_on_sc=True),
)


@jax.jit
def kernel(y_true, y_pred):
    yt = jnp.transpose(y_true, (2, 0, 1))
    yp = jnp.transpose(y_pred, (2, 0, 1))
    part = _sc_call(yt, yp)
    tot = part.sum(axis=0)
    loss_confidence = -tot[0] / jnp.float32(_NROWS)
    loss_iou = -(tot[1] / tot[2])
    return (loss_confidence, loss_iou)

# --- scband reference (transcript-rebuilt; emitter-appended) ---
"""Pipeline reference for scband-ocrtrain-net-10247791969020 (READ-ONLY COPY).

The authoritative reference and input builder live on the scoring server;
editing this copy changes nothing except your own understanding.
"""

import jax, jax.numpy as jnp
import numpy as np

_EPS = 1e-7

def setup_inputs(seed: int = 0):
    key = jax.random.key(seed)
    k1, k2 = jax.random.split(key)
    y_true = jax.random.randint(k1, (16, 4096, 5), 0, 2).astype(jnp.float32)
    y_pred = jax.random.normal(k2, (16, 4096, 5), dtype=jnp.float32)
    return {"y_true": y_true, "y_pred": y_pred}

def reference(y_true, y_pred):
    # __flatten_and_mask
    yt = y_true.reshape(-1, 5)
    yp = y_pred.reshape(-1, 5)
    mask = yt[:, 0] != -1.0
    # __loss_confidence (focal loss on channel 0)
    alpha = 0.25
    gamma = 2.0
    t = yt[:, 0]
    p = jax.nn.sigmoid(yp[:, 0])
    pt_1 = jnp.where(mask & (t == 1.0), p, jnp.ones_like(p))
    pt_0 = jnp.where(mask & (t == 0.0), p, jnp.zeros_like(p))
    loss_sum = -jnp.sum(alpha * jnp.power(1.0 - pt_1, gamma) * jnp.log(pt_1 + _EPS)) - jnp.sum((1.0 - alpha) * jnp.power(pt_0, gamma) * jnp.log(1.0 - pt_0 + _EPS))
    loss_confidence = loss_sum / jnp.sum(mask).astype(jnp.float32)
    # __loss_iou / _ious on positive rows
    pos = mask & (yt[:, 0] == 1.0)
    area_true = (yt[:, 3] + yt[:, 1]) * (yt[:, 4] + yt[:, 2])
    area_pred = jnp.maximum((yp[:, 3] + yp[:, 1]) * (yp[:, 4] + yp[:, 2]), 0.0)
    x_intersect = jnp.maximum(jnp.minimum(yt[:, 3], yp[:, 3]) + jnp.minimum(yt[:, 1], yp[:, 1]), 0.0)
    y_intersect = jnp.maximum(jnp.minimum(yt[:, 4], yp[:, 4]) + jnp.minimum(yt[:, 2], yp[:, 2]), 0.0)
    area_intersect = x_intersect * y_intersect
    ious = area_intersect / (area_true + area_pred - area_intersect + _EPS)
    log_ious = jnp.where(pos, jnp.log(ious + _EPS), jnp.zeros_like(ious))
    loss_iou = -(jnp.sum(log_ious) / jnp.sum(pos).astype(jnp.float32))
    return (loss_confidence, loss_iou)

if __name__ == "__main__":
    import jax
    _d = setup_inputs()
    print(jax.jit(kernel)(*tuple(_d.values())))

</pallas_src>

<mosaic_0001>
#map = affine_map<(d0, d1) -> (0, 0, 0)>
#map1 = affine_map<(d0, d1) -> (0, 0)>
module attributes {stable_mosaic.version = 14 : i64} {
  func.func @_sc_body(%arg0: i32, %arg1: i32, %arg2: memref<5x16x4096xf32, #tpu.memory_space<hbm>>, %arg3: memref<5x16x4096xf32, #tpu.memory_space<hbm>>, %arg4: memref<32x16xf32, #tpu.memory_space<hbm>>, %arg5: memref<5x2x8x128xf32, #tpu.memory_space<vmem>>, %arg6: memref<5x2x8x128xf32, #tpu.memory_space<vmem>>, %arg7: memref<16xf32, #tpu.memory_space<vmem>>, %arg8: memref<!tpu.dma_semaphore, #tpu.memory_space<semaphore_mem>>) attributes {dimension_semantics = [#tpu.dimension_semantics<core_parallel>, #tpu.dimension_semantics<subcore_parallel>], iteration_bounds = array<i64: 2, 16>, scalar_prefetch = 0 : i64, scratch_operands = 4 : i64, tpu.core_type = #tpu.core_type<sc_vector_subcore>, window_params = [{transform_indices = #map}, {transform_indices = #map}, {transform_indices = #map1}]} {
    %mul3A = arith.constant 2 : i32
    %mul3A_0 = arith.muli %arg1, %mul3A : i32
    %add3A = arith.addi %mul3A_0, %arg0 : i32
    %mul3A_1 = arith.constant 8 : i32
    %mul3A_2 = arith.muli %arg0, %mul3A_1 : i32
    %mul3A_3 = arith.constant 256 : i32
    %mul3A_4 = arith.muli %arg1, %mul3A_3 : i32
    %add3A_5 = arith.constant 0 : i32
    %add3A_6 = arith.addi %mul3A_4, %add3A_5 : i32
    %add3A_7 = arith.constant 0 : i32
    %add3A_8 = arith.addi %mul3A_4, %add3A_7 : i32
    %dma_start3A = arith.constant 0 : i32
    %dma_start3A_9 = arith.constant 0 : i32
    %dma_start3A_10 = arith.constant 0 : i32
    %dma_start3A_11 = arith.constant 0 : i32
    %dma_start3A_12 = tpu.memref_slice %arg5[%dma_start3A_9, %dma_start3A, %dma_start3A_10, %dma_start3A_11] : memref<5x2x8x128xf32, #tpu.memory_space<vmem>> -> memref<5x1x8x128xf32, #tpu.memory_space<vmem>>
    %dma_start3A_13 = tpu.memref_squeeze %dma_start3A_12 : memref<5x1x8x128xf32, #tpu.memory_space<vmem>> -> memref<5x8x128xf32, #tpu.memory_space<vmem>>
    %dma_start3A_14 = arith.constant 0 : i32
    %dma_start3A_15 = tpu.memref_slice %arg2[%dma_start3A_14, %mul3A_2, %add3A_6] : memref<5x16x4096xf32, #tpu.memory_space<hbm>> -> memref<5x8x128xf32, #tpu.memory_space<hbm>>
    %dma_start3A_16 = arith.constant 0 : i32
    %dma_start3A_17 = arith.constant 0 : i32
    %dma_start3A_18 = arith.constant 0 : i32
    %dma_start3A_19 = tpu.memref_slice %arg5[%dma_start3A_16, %dma_start3A, %dma_start3A_17, %dma_start3A_18] : memref<5x2x8x128xf32, #tpu.memory_space<vmem>> -> memref<5x1x8x128xf32, #tpu.memory_space<vmem>>
    %dma_start3A_20 = tpu.memref_squeeze %dma_start3A_19 : memref<5x1x8x128xf32, #tpu.memory_space<vmem>> -> memref<5x8x128xf32, #tpu.memory_space<vmem>>
    %dma_start3A_21 = arith.constant 0 : i32
    %dma_start3A_22 = tpu.memref_slice %arg2[%dma_start3A_21, %mul3A_2, %add3A_6] : memref<5x16x4096xf32, #tpu.memory_space<hbm>> -> memref<5x8x128xf32, #tpu.memory_space<hbm>>
    tpu.enqueue_dma source(%dma_start3A_22 : memref<5x8x128xf32, #tpu.memory_space<hbm>>) target(%dma_start3A_20 : memref<5x8x128xf32, #tpu.memory_space<vmem>>) target_semaphore(%arg8 : memref<!tpu.dma_semaphore, #tpu.memory_space<semaphore_mem>>)
    %dma_start3A_23 = arith.constant 0 : i32
    %dma_start3A_24 = arith.constant 0 : i32
    %dma_start3A_25 = arith.constant 0 : i32
    %dma_start3A_26 = arith.constant 0 : i32
    %dma_start3A_27 = tpu.memref_slice %arg6[%dma_start3A_24, %dma_start3A_23, %dma_start3A_25, %dma_start3A_26] : memref<5x2x8x128xf32, #tpu.memory_space<vmem>> -> memref<5x1x8x128xf32, #tpu.memory_space<vmem>>
    %dma_start3A_28 = tpu.memref_squeeze %dma_start3A_27 : memref<5x1x8x128xf32, #tpu.memory_space<vmem>> -> memref<5x8x128xf32, #tpu.memory_space<vmem>>
    %dma_start3A_29 = arith.constant 0 : i32
    %dma_start3A_30 = tpu.memref_slice %arg3[%dma_start3A_29, %mul3A_2, %add3A_8] : memref<5x16x4096xf32, #tpu.memory_space<hbm>> -> memref<5x8x128xf32, #tpu.memory_space<hbm>>
    %dma_start3A_31 = arith.constant 0 : i32
    %dma_start3A_32 = arith.constant 0 : i32
    %dma_start3A_33 = arith.constant 0 : i32
    %dma_start3A_34 = tpu.memref_slice %arg6[%dma_start3A_31, %dma_start3A_23, %dma_start3A_32, %dma_start3A_33] : memref<5x2x8x128xf32, #tpu.memory_space<vmem>> -> memref<5x1x8x128xf32, #tpu.memory_space<vmem>>
    %dma_start3A_35 = tpu.memref_squeeze %dma_start3A_34 : memref<5x1x8x128xf32, #tpu.memory_space<vmem>> -> memref<5x8x128xf32, #tpu.memory_space<vmem>>
    %dma_start3A_36 = arith.constant 0 : i32
    %dma_start3A_37 = tpu.memref_slice %arg3[%dma_start3A_36, %mul3A_2, %add3A_8] : memref<5x16x4096xf32, #tpu.memory_space<hbm>> -> memref<5x8x128xf32, #tpu.memory_space<hbm>>
    tpu.enqueue_dma source(%dma_start3A_37 : memref<5x8x128xf32, #tpu.memory_space<hbm>>) target(%dma_start3A_35 : memref<5x8x128xf32, #tpu.memory_space<vmem>>) target_semaphore(%arg8 : memref<!tpu.dma_semaphore, #tpu.memory_space<semaphore_mem>>)
    %add3A_38 = arith.constant 128 : i32
    %add3A_39 = arith.addi %mul3A_4, %add3A_38 : i32
    %add3A_40 = arith.constant 128 : i32
    %add3A_41 = arith.addi %mul3A_4, %add3A_40 : i32
    %dma_start3A_42 = arith.constant 1 : i32
    %dma_start3A_43 = arith.constant 0 : i32
    %dma_start3A_44 = arith.constant 0 : i32
    %dma_start3A_45 = arith.constant 0 : i32
    %dma_start3A_46 = tpu.memref_slice %arg5[%dma_start3A_43, %dma_start3A_42, %dma_start3A_44, %dma_start3A_45] : memref<5x2x8x128xf32, #tpu.memory_space<vmem>> -> memref<5x1x8x128xf32, #tpu.memory_space<vmem>>
    %dma_start3A_47 = tpu.memref_squeeze %dma_start3A_46 : memref<5x1x8x128xf32, #tpu.memory_space<vmem>> -> memref<5x8x128xf32, #tpu.memory_space<vmem>>
    %dma_start3A_48 = arith.constant 0 : i32
    %dma_start3A_49 = tpu.memref_slice %arg2[%dma_start3A_48, %mul3A_2, %add3A_39] : memref<5x16x4096xf32, #tpu.memory_space<hbm>> -> memref<5x8x128xf32, #tpu.memory_space<hbm>>
    %dma_start3A_50 = arith.constant 0 : i32
    %dma_start3A_51 = arith.constant 0 : i32
    %dma_start3A_52 = arith.constant 0 : i32
    %dma_start3A_53 = tpu.memref_slice %arg5[%dma_start3A_50, %dma_start3A_42, %dma_start3A_51, %dma_start3A_52] : memref<5x2x8x128xf32, #tpu.memory_space<vmem>> -> memref<5x1x8x128xf32, #tpu.memory_space<vmem>>
    %dma_start3A_54 = tpu.memref_squeeze %dma_start3A_53 : memref<5x1x8x128xf32, #tpu.memory_space<vmem>> -> memref<5x8x128xf32, #tpu.memory_space<vmem>>
    %dma_start3A_55 = arith.constant 0 : i32
    %dma_start3A_56 = tpu.memref_slice %arg2[%dma_start3A_55, %mul3A_2, %add3A_39] : memref<5x16x4096xf32, #tpu.memory_space<hbm>> -> memref<5x8x128xf32, #tpu.memory_space<hbm>>
    tpu.enqueue_dma source(%dma_start3A_56 : memref<5x8x128xf32, #tpu.memory_space<hbm>>) target(%dma_start3A_54 : memref<5x8x128xf32, #tpu.memory_space<vmem>>) target_semaphore(%arg8 : memref<!tpu.dma_semaphore, #tpu.memory_space<semaphore_mem>>)
    %dma_start3A_57 = arith.constant 1 : i32
    %dma_start3A_58 = arith.constant 0 : i32
    %dma_start3A_59 = arith.constant 0 : i32
    %dma_start3A_60 = arith.constant 0 : i32
    %dma_start3A_61 = tpu.memref_slice %arg6[%dma_start3A_58, %dma_start3A_57, %dma_start3A_59, %dma_start3A_60] : memref<5x2x8x128xf32, #tpu.memory_space<vmem>> -> memref<5x1x8x128xf32, #tpu.memory_space<vmem>>
    %dma_start3A_62 = tpu.memref_squeeze %dma_start3A_61 : memref<5x1x8x128xf32, #tpu.memory_space<vmem>> -> memref<5x8x128xf32, #tpu.memory_space<vmem>>
    %dma_start3A_63 = arith.constant 0 : i32
    %dma_start3A_64 = tpu.memref_slice %arg3[%dma_start3A_63, %mul3A_2, %add3A_41] : memref<5x16x4096xf32, #tpu.memory_space<hbm>> -> memref<5x8x128xf32, #tpu.memory_space<hbm>>
    %dma_start3A_65 = arith.constant 0 : i32
    %dma_start3A_66 = arith.constant 0 : i32
    %dma_start3A_67 = arith.constant 0 : i32
    %dma_start3A_68 = tpu.memref_slice %arg6[%dma_start3A_65, %dma_start3A_57, %dma_start3A_66, %dma_start3A_67] : memref<5x2x8x128xf32, #tpu.memory_space<vmem>> -> memref<5x1x8x128xf32, #tpu.memory_space<vmem>>
    %dma_start3A_69 = tpu.memref_squeeze %dma_start3A_68 : memref<5x1x8x128xf32, #tpu.memory_space<vmem>> -> memref<5x8x128xf32, #tpu.memory_space<vmem>>
    %dma_start3A_70 = arith.constant 0 : i32
    %dma_start3A_71 = tpu.memref_slice %arg3[%dma_start3A_70, %mul3A_2, %add3A_41] : memref<5x16x4096xf32, #tpu.memory_space<hbm>> -> memref<5x8x128xf32, #tpu.memory_space<hbm>>
    tpu.enqueue_dma source(%dma_start3A_71 : memref<5x8x128xf32, #tpu.memory_space<hbm>>) target(%dma_start3A_69 : memref<5x8x128xf32, #tpu.memory_space<vmem>>) target_semaphore(%arg8 : memref<!tpu.dma_semaphore, #tpu.memory_space<semaphore_mem>>)
    %broadcast_in_dim3A = arith.constant 0.000000e+00 : f32
    %broadcast_in_dim3A_72 = vector.broadcast %broadcast_in_dim3A : f32 to vector<16xf32>
    %dma_wait3A = arith.constant 0 : i32
    %dma_wait3A_73 = arith.constant 0 : i32
    %dma_wait3A_74 = arith.constant 0 : i32
    %dma_wait3A_75 = arith.constant 0 : i32
    %dma_wait3A_76 = tpu.memref_slice %arg5[%dma_wait3A_73, %dma_wait3A, %dma_wait3A_74, %dma_wait3A_75] : memref<5x2x8x128xf32, #tpu.memory_space<vmem>> -> memref<5x1x8x128xf32, #tpu.memory_space<vmem>>
    %dma_wait3A_77 = tpu.memref_squeeze %dma_wait3A_76 : memref<5x1x8x128xf32, #tpu.memory_space<vmem>> -> memref<5x8x128xf32, #tpu.memory_space<vmem>>
    %dma_wait3A_78 = arith.constant 0 : i32
    %dma_wait3A_79 = tpu.memref_slice %arg2[%dma_wait3A_78, %mul3A_2, %add3A_6] : memref<5x16x4096xf32, #tpu.memory_space<hbm>> -> memref<5x8x128xf32, #tpu.memory_space<hbm>>
    %dma_wait3A_80 = arith.constant 0 : i32
    %dma_wait3A_81 = arith.constant 0 : i32
    %dma_wait3A_82 = arith.constant 0 : i32
    %dma_wait3A_83 = tpu.memref_slice %arg5[%dma_wait3A_80, %dma_wait3A, %dma_wait3A_81, %dma_wait3A_82] : memref<5x2x8x128xf32, #tpu.memory_space<vmem>> -> memref<5x1x8x128xf32, #tpu.memory_space<vmem>>
    %dma_wait3A_84 = tpu.memref_squeeze %dma_wait3A_83 : memref<5x1x8x128xf32, #tpu.memory_space<vmem>> -> memref<5x8x128xf32, #tpu.memory_space<vmem>>
    %dma_wait3A_85 = arith.constant 0 : i32
    %dma_wait3A_86 = tpu.memref_slice %arg2[%dma_wait3A_85, %mul3A_2, %add3A_6] : memref<5x16x4096xf32, #tpu.memory_space<hbm>> -> memref<5x8x128xf32, #tpu.memory_space<hbm>>
    tpu.wait_dma2 semaphore(%arg8 : memref<!tpu.dma_semaphore, #tpu.memory_space<semaphore_mem>>) src(%dma_wait3A_86 : memref<5x8x128xf32, #tpu.memory_space<hbm>>) dst(%dma_wait3A_84 : memref<5x8x128xf32, #tpu.memory_space<vmem>>)
    %dma_wait3A_87 = arith.constant 0 : i32
    %dma_wait3A_88 = arith.constant 0 : i32
    %dma_wait3A_89 = arith.constant 0 : i32
    %dma_wait3A_90 = arith.constant 0 : i32
    %dma_wait3A_91 = tpu.memref_slice %arg6[%dma_wait3A_88, %dma_wait3A_87, %dma_wait3A_89, %dma_wait3A_90] : memref<5x2x8x128xf32, #tpu.memory_space<vmem>> -> memref<5x1x8x128xf32, #tpu.memory_space<vmem>>
    %dma_wait3A_92 = tpu.memref_squeeze %dma_wait3A_91 : memref<5x1x8x128xf32, #tpu.memory_space<vmem>> -> memref<5x8x128xf32, #tpu.memory_space<vmem>>
    %dma_wait3A_93 = arith.constant 0 : i32
    %dma_wait3A_94 = tpu.memref_slice %arg3[%dma_wait3A_93, %mul3A_2, %add3A_8] : memref<5x16x4096xf32, #tpu.memory_space<hbm>> -> memref<5x8x128xf32, #tpu.memory_space<hbm>>
    %dma_wait3A_95 = arith.constant 0 : i32
    %dma_wait3A_96 = arith.constant 0 : i32
    %dma_wait3A_97 = arith.constant 0 : i32
    %dma_wait3A_98 = tpu.memref_slice %arg6[%dma_wait3A_95, %dma_wait3A_87, %dma_wait3A_96, %dma_wait3A_97] : memref<5x2x8x128xf32, #tpu.memory_space<vmem>> -> memref<5x1x8x128xf32, #tpu.memory_space<vmem>>
    %dma_wait3A_99 = tpu.memref_squeeze %dma_wait3A_98 : memref<5x1x8x128xf32, #tpu.memory_space<vmem>> -> memref<5x8x128xf32, #tpu.memory_space<vmem>>
    %dma_wait3A_100 = arith.constant 0 : i32
    %dma_wait3A_101 = tpu.memref_slice %arg3[%dma_wait3A_100, %mul3A_2, %add3A_8] : memref<5x16x4096xf32, #tpu.memory_space<hbm>> -> memref<5x8x128xf32, #tpu.memory_space<hbm>>
    tpu.wait_dma2 semaphore(%arg8 : memref<!tpu.dma_semaphore, #tpu.memory_space<semaphore_mem>>) src(%dma_wait3A_101 : memref<5x8x128xf32, #tpu.memory_space<hbm>>) dst(%dma_wait3A_99 : memref<5x8x128xf32, #tpu.memory_space<vmem>>)
    %scan3A = arith.constant 0 : i32
    %scan3A_102 = arith.constant 64 : i32
    %scan3A_103 = arith.addi %scan3A, %scan3A_102 : i32
    %scan3A_104 = arith.constant 1 : i32
    %scan3A_105:3 = scf.for %scan3A_169 = %scan3A to %scan3A_103 step %scan3A_104 iter_args(%scan3A_170 = %broadcast_in_dim3A_72, %scan3A_171 = %broadcast_in_dim3A_72, %scan3A_172 = %broadcast_in_dim3A_72) -> (vector<16xf32>, vector<16xf32>, vector<16xf32>)  : i32 {
      %shift_right_logical3A = arith.constant 6 : i32
      %shift_right_logical3A_173 = arith.shrui %scan3A_169, %shift_right_logical3A : i32
      %shift_right_logical3A_174 = arith.constant 3 : i32
      %shift_right_logical3A_175 = arith.shrui %scan3A_169, %shift_right_logical3A_174 : i32
      %and3A = arith.constant 7 : i32
      %and3A_176 = arith.andi %shift_right_logical3A_175, %and3A : i32
      %and3A_177 = arith.constant 7 : i32
      %and3A_178 = arith.andi %scan3A_169, %and3A_177 : i32
      %mul3A_179 = arith.constant 16 : i32
      %mul3A_180 = arith.muli %and3A_178, %mul3A_179 : i32
      %get3A = arith.constant 0 : i32
      %get3A_181 = arith.index_cast %get3A : i32 to index
      %get3A_182 = arith.index_cast %shift_right_logical3A_173 : i32 to index
      %get3A_183 = arith.index_cast %and3A_176 : i32 to index
      %get3A_184 = arith.index_cast %mul3A_180 : i32 to index
      %get3A_185 = tpu.vector_load %arg5[%get3A_181, %get3A_182, %get3A_183, %get3A_184] {strides = array<i32>} : memref<5x2x8x128xf32, #tpu.memory_space<vmem>>, vector<16xf32>,
      %get3A_186 = arith.constant 0 : i32
      %get3A_187 = arith.index_cast %get3A_186 : i32 to index
      %get3A_188 = arith.index_cast %shift_right_logical3A_173 : i32 to index
      %get3A_189 = arith.index_cast %and3A_176 : i32 to index
      %get3A_190 = arith.index_cast %mul3A_180 : i32 to index
      %get3A_191 = tpu.vector_load %arg6[%get3A_187, %get3A_188, %get3A_189, %get3A_190] {strides = array<i32>} : memref<5x2x8x128xf32, #tpu.memory_space<vmem>>, vector<16xf32>,
      %get3A_192 = arith.constant 1 : i32
      %get3A_193 = arith.index_cast %get3A_192 : i32 to index
      %get3A_194 = arith.index_cast %shift_right_logical3A_173 : i32 to index
      %get3A_195 = arith.index_cast %and3A_176 : i32 to index
      %get3A_196 = arith.index_cast %mul3A_180 : i32 to index
      %get3A_197 = tpu.vector_load %arg5[%get3A_193, %get3A_194, %get3A_195, %get3A_196] {strides = array<i32>} : memref<5x2x8x128xf32, #tpu.memory_space<vmem>>, vector<16xf32>,
      %get3A_198 = arith.constant 2 : i32
      %get3A_199 = arith.index_cast %get3A_198 : i32 to index
      %get3A_200 = arith.index_cast %shift_right_logical3A_173 : i32 to index
      %get3A_201 = arith.index_cast %and3A_176 : i32 to index
      %get3A_202 = arith.index_cast %mul3A_180 : i32 to index
      %get3A_203 = tpu.vector_load %arg5[%get3A_199, %get3A_200, %get3A_201, %get3A_202] {strides = array<i32>} : memref<5x2x8x128xf32, #tpu.memory_space<vmem>>, vector<16xf32>,
      %get3A_204 = arith.constant 3 : i32
      %get3A_205 = arith.index_cast %get3A_204 : i32 to index
      %get3A_206 = arith.index_cast %shift_right_logical3A_173 : i32 to index
      %get3A_207 = arith.index_cast %and3A_176 : i32 to index
      %get3A_208 = arith.index_cast %mul3A_180 : i32 to index
      %get3A_209 = tpu.vector_load %arg5[%get3A_205, %get3A_206, %get3A_207, %get3A_208] {strides = array<i32>} : memref<5x2x8x128xf32, #tpu.memory_space<vmem>>, vector<16xf32>,
      %get3A_210 = arith.constant 4 : i32
      %get3A_211 = arith.index_cast %get3A_210 : i32 to index
      %get3A_212 = arith.index_cast %shift_right_logical3A_173 : i32 to index
      %get3A_213 = arith.index_cast %and3A_176 : i32 to index
      %get3A_214 = arith.index_cast %mul3A_180 : i32 to index
      %get3A_215 = tpu.vector_load %arg5[%get3A_211, %get3A_212, %get3A_213, %get3A_214] {strides = array<i32>} : memref<5x2x8x128xf32, #tpu.memory_space<vmem>>, vector<16xf32>,
      %get3A_216 = arith.constant 1 : i32
      %get3A_217 = arith.index_cast %get3A_216 : i32 to index
      %get3A_218 = arith.index_cast %shift_right_logical3A_173 : i32 to index
      %get3A_219 = arith.index_cast %and3A_176 : i32 to index
      %get3A_220 = arith.index_cast %mul3A_180 : i32 to index
      %get3A_221 = tpu.vector_load %arg6[%get3A_217, %get3A_218, %get3A_219, %get3A_220] {strides = array<i32>} : memref<5x2x8x128xf32, #tpu.memory_space<vmem>>, vector<16xf32>,
      %get3A_222 = arith.constant 2 : i32
      %get3A_223 = arith.index_cast %get3A_222 : i32 to index
      %get3A_224 = arith.index_cast %shift_right_logical3A_173 : i32 to index
      %get3A_225 = arith.index_cast %and3A_176 : i32 to index
      %get3A_226 = arith.index_cast %mul3A_180 : i32 to index
      %get3A_227 = tpu.vector_load %arg6[%get3A_223, %get3A_224, %get3A_225, %get3A_226] {strides = array<i32>} : memref<5x2x8x128xf32, #tpu.memory_space<vmem>>, vector<16xf32>,
      %get3A_228 = arith.constant 3 : i32
      %get3A_229 = arith.index_cast %get3A_228 : i32 to index
      %get3A_230 = arith.index_cast %shift_right_logical3A_173 : i32 to index
      %get3A_231 = arith.index_cast %and3A_176 : i32 to index
      %get3A_232 = arith.index_cast %mul3A_180 : i32 to index
      %get3A_233 = tpu.vector_load %arg6[%get3A_229, %get3A_230, %get3A_231, %get3A_232] {strides = array<i32>} : memref<5x2x8x128xf32, #tpu.memory_space<vmem>>, vector<16xf32>,
      %get3A_234 = arith.constant 4 : i32
      %get3A_235 = arith.index_cast %get3A_234 : i32 to index
      %get3A_236 = arith.index_cast %shift_right_logical3A_173 : i32 to index
      %get3A_237 = arith.index_cast %and3A_176 : i32 to index
      %get3A_238 = arith.index_cast %mul3A_180 : i32 to index
      %get3A_239 = tpu.vector_load %arg6[%get3A_235, %get3A_236, %get3A_237, %get3A_238] {strides = array<i32>} : memref<5x2x8x128xf32, #tpu.memory_space<vmem>>, vector<16xf32>,
      %eq3A_240 = arith.constant 1.000000e+00 : f32
      %eq3A_241 = vector.broadcast %eq3A_240 : f32 to vector<16xf32>
      %eq3A_242 = arith.cmpf oeq, %get3A_185, %eq3A_241 : vector<16xf32>
      %neg3A = arith.constant 0.000000e+00 : f32
      %neg3A_243 = vector.broadcast %neg3A : f32 to vector<16xf32>
      %neg3A_244 = arith.subf %neg3A_243, %get3A_191 : vector<16xf32>
      %select_n3A_245 = arith.select %eq3A_242, %get3A_191, %neg3A_244 : vector<16xi1>, vector<16xf32>
      %neg3A_246 = arith.constant 0.000000e+00 : f32
      %neg3A_247 = vector.broadcast %neg3A_246 : f32 to vector<16xf32>
      %neg3A_248 = arith.subf %neg3A_247, %select_n3A_245 : vector<16xf32>
      %exp3A = math.exp %neg3A_248 : vector<16xf32>
      %add3A_249 = arith.constant 1.000000e+00 : f32
      %add3A_250 = vector.broadcast %add3A_249 : f32 to vector<16xf32>
      %add3A_251 = arith.addf %add3A_250, %exp3A : vector<16xf32>
      %div3A = arith.constant 1.000000e+00 : f32
      %div3A_252 = vector.broadcast %div3A : f32 to vector<16xf32>
      %div3A_253 = arith.divf %div3A_252, %add3A_251 : vector<16xf32>
      %jit3A_254 = arith.constant 2.500000e-01 : f32
      %jit3A_255 = arith.constant 7.500000e-01 : f32
      %broadcast_in_dim3A_256 = vector.broadcast %jit3A_254 : f32 to vector<16xf32>
      %broadcast_in_dim3A_257 = vector.broadcast %jit3A_255 : f32 to vector<16xf32>
      %select_n3A_258 = arith.select %eq3A_242, %broadcast_in_dim3A_256, %broadcast_in_dim3A_257 : vector<16xi1>, vector<16xf32>
      %sub3A = arith.constant 1.000000e+00 : f32
      %sub3A_259 = vector.broadcast %sub3A : f32 to vector<16xf32>
      %sub3A_260 = arith.subf %sub3A_259, %div3A_253 : vector<16xf32>
      %mul3A_261 = arith.mulf %sub3A_260, %sub3A_260 : vector<16xf32>
      %mul3A_262 = arith.mulf %select_n3A_258, %mul3A_261 : vector<16xf32>
      %add3A_263 = arith.constant 1.000000e-07 : f32
      %add3A_264 = vector.broadcast %add3A_263 : f32 to vector<16xf32>
      %add3A_265 = arith.addf %div3A_253, %add3A_264 : vector<16xf32>
      %bitcast3A = vector.bitcast %add3A_265 : vector<16xf32> to vector<16xi32>
      %shift_right_logical3A_266 = arith.constant 23 : i32
      %shift_right_logical3A_267 = vector.broadcast %shift_right_logical3A_266 : i32 to vector<16xi32>
      %shift_right_logical3A_268 = arith.shrui %bitcast3A, %shift_right_logical3A_267 : vector<16xi32>
      %sub3A_269 = arith.constant 127 : i32
      %sub3A_270 = vector.broadcast %sub3A_269 : i32 to vector<16xi32>
      %sub3A_271 = arith.subi %shift_right_logical3A_268, %sub3A_270 : vector<16xi32>
      %and3A_272 = arith.constant 8388607 : i32
      %and3A_273 = vector.broadcast %and3A_272 : i32 to vector<16xi32>
      %and3A_274 = arith.andi %bitcast3A, %and3A_273 : vector<16xi32>
      %or3A = arith.constant 1065353216 : i32
      %or3A_275 = vector.broadcast %or3A : i32 to vector<16xi32>
      %or3A_276 = arith.ori %and3A_274, %or3A_275 : vector<16xi32>
      %bitcast3A_277 = vector.bitcast %or3A_276 : vector<16xi32> to vector<16xf32>
      %sub3A_278 = arith.constant 1.000000e+00 : f32
      %sub3A_279 = vector.broadcast %sub3A_278 : f32 to vector<16xf32>
      %sub3A_280 = arith.subf %bitcast3A_277, %sub3A_279 : vector<16xf32>
      %broadcast_in_dim3A_281 = arith.constant 0.00375262415 : f32
      %broadcast_in_dim3A_282 = vector.broadcast %broadcast_in_dim3A_281 : f32 to vector<16xf32>
      %mul3A_283 = arith.mulf %broadcast_in_dim3A_282, %sub3A_280 : vector<16xf32>
      %add3A_284 = arith.constant -0.0230382793 : f32
      %add3A_285 = vector.broadcast %add3A_284 : f32 to vector<16xf32>
      %add3A_286 = arith.addf %mul3A_283, %add3A_285 : vector<16xf32>
      %mul3A_287 = arith.mulf %add3A_286, %sub3A_280 : vector<16xf32>
      %add3A_288 = arith.constant 0.0665124804 : f32
      %add3A_289 = vector.broadcast %add3A_288 : f32 to vector<16xf32>
      %add3A_290 = arith.addf %mul3A_287, %add3A_289 : vector<16xf32>
      %mul3A_291 = arith.mulf %add3A_290, %sub3A_280 : vector<16xf32>
      %add3A_292 = arith.constant -0.125266612 : f32
      %add3A_293 = vector.broadcast %add3A_292 : f32 to vector<16xf32>
      %add3A_294 = arith.addf %mul3A_291, %add3A_293 : vector<16xf32>
      %mul3A_295 = arith.mulf %add3A_294, %sub3A_280 : vector<16xf32>
      %add3A_296 = arith.constant 0.184688479 : f32
      %add3A_297 = vector.broadcast %add3A_296 : f32 to vector<16xf32>
      %add3A_298 = arith.addf %mul3A_295, %add3A_297 : vector<16xf32>
      %mul3A_299 = arith.mulf %add3A_298, %sub3A_280 : vector<16xf32>
      %add3A_300 = arith.constant -0.246356606 : f32
      %add3A_301 = vector.broadcast %add3A_300 : f32 to vector<16xf32>
      %add3A_302 = arith.addf %mul3A_299, %add3A_301 : vector<16xf32>
      %mul3A_303 = arith.mulf %add3A_302, %sub3A_280 : vector<16xf32>
      %add3A_304 = arith.constant 0.332818419 : f32
      %add3A_305 = vector.broadcast %add3A_304 : f32 to vector<16xf32>
      %add3A_306 = arith.addf %mul3A_303, %add3A_305 : vector<16xf32>
      %mul3A_307 = arith.mulf %add3A_306, %sub3A_280 : vector<16xf32>
      %add3A_308 = arith.constant -0.49996224 : f32
      %add3A_309 = vector.broadcast %add3A_308 : f32 to vector<16xf32>
      %add3A_310 = arith.addf %mul3A_307, %add3A_309 : vector<16xf32>
      %mul3A_311 = arith.mulf %add3A_310, %sub3A_280 : vector<16xf32>
      %add3A_312 = arith.constant 0.999998927 : f32
      %add3A_313 = vector.broadcast %add3A_312 : f32 to vector<16xf32>
      %add3A_314 = arith.addf %mul3A_311, %add3A_313 : vector<16xf32>
      %mul3A_315 = arith.mulf %add3A_314, %sub3A_280 : vector<16xf32>
      %add3A_316 = arith.constant 5.23940269E-9 : f32
      %add3A_317 = vector.broadcast %add3A_316 : f32 to vector<16xf32>
      %add3A_318 = arith.addf %mul3A_315, %add3A_317 : vector<16xf32>
      %convert_element_type3A = arith.sitofp %sub3A_271 : vector<16xi32> to vector<16xf32>
      %mul3A_319 = arith.constant 0.693147182 : f32
      %mul3A_320 = vector.broadcast %mul3A_319 : f32 to vector<16xf32>
      %mul3A_321 = arith.mulf %convert_element_type3A, %mul3A_320 : vector<16xf32>
      %add3A_322 = arith.addf %mul3A_321, %add3A_318 : vector<16xf32>
      %mul3A_323 = arith.mulf %mul3A_262, %add3A_322 : vector<16xf32>
      %add3A_324 = arith.addf %get3A_209, %get3A_197 : vector<16xf32>
      %add3A_325 = arith.addf %get3A_215, %get3A_203 : vector<16xf32>
      %mul3A_326 = arith.mulf %add3A_324, %add3A_325 : vector<16xf32>
      %add3A_327 = arith.addf %get3A_233, %get3A_221 : vector<16xf32>
      %add3A_328 = arith.addf %get3A_239, %get3A_227 : vector<16xf32>
      %mul3A_329 = arith.mulf %add3A_327, %add3A_328 : vector<16xf32>
      %max3A = arith.constant 0.000000e+00 : f32
      %max3A_330 = vector.broadcast %max3A : f32 to vector<16xf32>
      %max3A_331 = arith.maximumf %mul3A_329, %max3A_330 : vector<16xf32>
      %min3A = arith.minimumf %get3A_209, %get3A_233 : vector<16xf32>
      %min3A_332 = arith.minimumf %get3A_197, %get3A_221 : vector<16xf32>
      %add3A_333 = arith.addf %min3A, %min3A_332 : vector<16xf32>
      %max3A_334 = arith.constant 0.000000e+00 : f32
      %max3A_335 = vector.broadcast %max3A_334 : f32 to vector<16xf32>
      %max3A_336 = arith.maximumf %add3A_333, %max3A_335 : vector<16xf32>
      %min3A_337 = arith.minimumf %get3A_215, %get3A_239 : vector<16xf32>
      %min3A_338 = arith.minimumf %get3A_203, %get3A_227 : vector<16xf32>
      %add3A_339 = arith.addf %min3A_337, %min3A_338 : vector<16xf32>
      %max3A_340 = arith.constant 0.000000e+00 : f32
      %max3A_341 = vector.broadcast %max3A_340 : f32 to vector<16xf32>
      %max3A_342 = arith.maximumf %add3A_339, %max3A_341 : vector<16xf32>
      %mul3A_343 = arith.mulf %max3A_336, %max3A_342 : vector<16xf32>
      %add3A_344 = arith.addf %mul3A_326, %max3A_331 : vector<16xf32>
      %sub3A_345 = arith.subf %add3A_344, %mul3A_343 : vector<16xf32>
      %add3A_346 = arith.constant 1.000000e-07 : f32
      %add3A_347 = vector.broadcast %add3A_346 : f32 to vector<16xf32>
      %add3A_348 = arith.addf %sub3A_345, %add3A_347 : vector<16xf32>
      %div3A_349 = arith.divf %mul3A_343, %add3A_348 : vector<16xf32>
      %add3A_350 = arith.constant 1.000000e-07 : f32
      %add3A_351 = vector.broadcast %add3A_350 : f32 to vector<16xf32>
      %add3A_352 = arith.addf %div3A_349, %add3A_351 : vector<16xf32>
      %bitcast3A_353 = vector.bitcast %add3A_352 : vector<16xf32> to vector<16xi32>
      %shift_right_logical3A_354 = arith.constant 23 : i32
      %shift_right_logical3A_355 = vector.broadcast %shift_right_logical3A_354 : i32 to vector<16xi32>
      %shift_right_logical3A_356 = arith.shrui %bitcast3A_353, %shift_right_logical3A_355 : vector<16xi32>
      %sub3A_357 = arith.constant 127 : i32
      %sub3A_358 = vector.broadcast %sub3A_357 : i32 to vector<16xi32>
      %sub3A_359 = arith.subi %shift_right_logical3A_356, %sub3A_358 : vector<16xi32>
      %and3A_360 = arith.constant 8388607 : i32
      %and3A_361 = vector.broadcast %and3A_360 : i32 to vector<16xi32>
      %and3A_362 = arith.andi %bitcast3A_353, %and3A_361 : vector<16xi32>
      %or3A_363 = arith.constant 1065353216 : i32
      %or3A_364 = vector.broadcast %or3A_363 : i32 to vector<16xi32>
      %or3A_365 = arith.ori %and3A_362, %or3A_364 : vector<16xi32>
      %bitcast3A_366 = vector.bitcast %or3A_365 : vector<16xi32> to vector<16xf32>
      %sub3A_367 = arith.constant 1.000000e+00 : f32
      %sub3A_368 = vector.broadcast %sub3A_367 : f32 to vector<16xf32>
      %sub3A_369 = arith.subf %bitcast3A_366, %sub3A_368 : vector<16xf32>
      %broadcast_in_dim3A_370 = arith.constant 0.00375262415 : f32
      %broadcast_in_dim3A_371 = vector.broadcast %broadcast_in_dim3A_370 : f32 to vector<16xf32>
      %mul3A_372 = arith.mulf %broadcast_in_dim3A_371, %sub3A_369 : vector<16xf32>
      %add3A_373 = arith.constant -0.0230382793 : f32
      %add3A_374 = vector.broadcast %add3A_373 : f32 to vector<16xf32>
      %add3A_375 = arith.addf %mul3A_372, %add3A_374 : vector<16xf32>
      %mul3A_376 = arith.mulf %add3A_375, %sub3A_369 : vector<16xf32>
      %add3A_377 = arith.constant 0.0665124804 : f32
      %add3A_378 = vector.broadcast %add3A_377 : f32 to vector<16xf32>
      %add3A_379 = arith.addf %mul3A_376, %add3A_378 : vector<16xf32>
      %mul3A_380 = arith.mulf %add3A_379, %sub3A_369 : vector<16xf32>
      %add3A_381 = arith.constant -0.125266612 : f32
      %add3A_382 = vector.broadcast %add3A_381 : f32 to vector<16xf32>
      %add3A_383 = arith.addf %mul3A_380, %add3A_382 : vector<16xf32>
      %mul3A_384 = arith.mulf %add3A_383, %sub3A_369 : vector<16xf32>
      %add3A_385 = arith.constant 0.184688479 : f32
      %add3A_386 = vector.broadcast %add3A_385 : f32 to vector<16xf32>
      %add3A_387 = arith.addf %mul3A_384, %add3A_386 : vector<16xf32>
      %mul3A_388 = arith.mulf %add3A_387, %sub3A_369 : vector<16xf32>
      %add3A_389 = arith.constant -0.246356606 : f32
      %add3A_390 = vector.broadcast %add3A_389 : f32 to vector<16xf32>
      %add3A_391 = arith.addf %mul3A_388, %add3A_390 : vector<16xf32>
      %mul3A_392 = arith.mulf %add3A_391, %sub3A_369 : vector<16xf32>
      %add3A_393 = arith.constant 0.332818419 : f32
      %add3A_394 = vector.broadcast %add3A_393 : f32 to vector<16xf32>
      %add3A_395 = arith.addf %mul3A_392, %add3A_394 : vector<16xf32>
      %mul3A_396 = arith.mulf %add3A_395, %sub3A_369 : vector<16xf32>
      %add3A_397 = arith.constant -0.49996224 : f32
      %add3A_398 = vector.broadcast %add3A_397 : f32 to vector<16xf32>
      %add3A_399 = arith.addf %mul3A_396, %add3A_398 : vector<16xf32>
      %mul3A_400 = arith.mulf %add3A_399, %sub3A_369 : vector<16xf32>
      %add3A_401 = arith.constant 0.999998927 : f32
      %add3A_402 = vector.broadcast %add3A_401 : f32 to vector<16xf32>
      %add3A_403 = arith.addf %mul3A_400, %add3A_402 : vector<16xf32>
      %mul3A_404 = arith.mulf %add3A_403, %sub3A_369 : vector<16xf32>
      %add3A_405 = arith.constant 5.23940269E-9 : f32
      %add3A_406 = vector.broadcast %add3A_405 : f32 to vector<16xf32>
      %add3A_407 = arith.addf %mul3A_404, %add3A_406 : vector<16xf32>
      %convert_element_type3A_408 = arith.sitofp %sub3A_359 : vector<16xi32> to vector<16xf32>
      %mul3A_409 = arith.constant 0.693147182 : f32
      %mul3A_410 = vector.broadcast %mul3A_409 : f32 to vector<16xf32>
      %mul3A_411 = arith.mulf %convert_element_type3A_408, %mul3A_410 : vector<16xf32>
      %add3A_412 = arith.addf %mul3A_411, %add3A_407 : vector<16xf32>
      %jit3A_413 = arith.constant 0.000000e+00 : f32
      %broadcast_in_dim3A_414 = vector.broadcast %jit3A_413 : f32 to vector<16xf32>
      %select_n3A_415 = arith.select %eq3A_242, %add3A_412, %broadcast_in_dim3A_414 : vector<16xi1>, vector<16xf32>
      %add3A_416 = arith.addf %scan3A_170, %mul3A_323 : vector<16xf32>
      %add3A_417 = arith.addf %scan3A_171, %select_n3A_415 : vector<16xf32>
      %jit3A_418 = arith.constant 1.000000e+00 : f32
      %jit3A_419 = arith.constant 0.000000e+00 : f32
      %broadcast_in_dim3A_420 = vector.broadcast %jit3A_418 : f32 to vector<16xf32>
      %broadcast_in_dim3A_421 = vector.broadcast %jit3A_419 : f32 to vector<16xf32>
      %select_n3A_422 = arith.select %eq3A_242, %broadcast_in_dim3A_420, %broadcast_in_dim3A_421 : vector<16xi1>, vector<16xf32>
      %add3A_423 = arith.addf %scan3A_172, %select_n3A_422 : vector<16xf32>
      scf.yield %add3A_416, %add3A_417, %add3A_423 : vector<16xf32>, vector<16xf32>, vector<16xf32>
    }
    %scan3A_106 = arith.constant 64 : i32
    %dma_wait3A_107 = arith.constant 1 : i32
    %dma_wait3A_108 = arith.constant 0 : i32
    %dma_wait3A_109 = arith.constant 0 : i32
    %dma_wait3A_110 = arith.constant 0 : i32
    %dma_wait3A_111 = tpu.memref_slice %arg5[%dma_wait3A_108, %dma_wait3A_107, %dma_wait3A_109, %dma_wait3A_110] : memref<5x2x8x128xf32, #tpu.memory_space<vmem>> -> memref<5x1x8x128xf32, #tpu.memory_space<vmem>>
    %dma_wait3A_112 = tpu.memref_squeeze %dma_wait3A_111 : memref<5x1x8x128xf32, #tpu.memory_space<vmem>> -> memref<5x8x128xf32, #tpu.memory_space<vmem>>
    %dma_wait3A_113 = arith.constant 0 : i32
    %dma_wait3A_114 = tpu.memref_slice %arg2[%dma_wait3A_113, %mul3A_2, %add3A_39] : memref<5x16x4096xf32, #tpu.memory_space<hbm>> -> memref<5x8x128xf32, #tpu.memory_space<hbm>>
    %dma_wait3A_115 = arith.constant 0 : i32
    %dma_wait3A_116 = arith.constant 0 : i32
    %dma_wait3A_117 = arith.constant 0 : i32
    %dma_wait3A_118 = tpu.memref_slice %arg5[%dma_wait3A_115, %dma_wait3A_107, %dma_wait3A_116, %dma_wait3A_117] : memref<5x2x8x128xf32, #tpu.memory_space<vmem>> -> memref<5x1x8x128xf32, #tpu.memory_space<vmem>>
    %dma_wait3A_119 = tpu.memref_squeeze %dma_wait3A_118 : memref<5x1x8x128xf32, #tpu.memory_space<vmem>> -> memref<5x8x128xf32, #tpu.memory_space<vmem>>
    %dma_wait3A_120 = arith.constant 0 : i32
    %dma_wait3A_121 = tpu.memref_slice %arg2[%dma_wait3A_120, %mul3A_2, %add3A_39] : memref<5x16x4096xf32, #tpu.memory_space<hbm>> -> memref<5x8x128xf32, #tpu.memory_space<hbm>>
    tpu.wait_dma2 semaphore(%arg8 : memref<!tpu.dma_semaphore, #tpu.memory_space<semaphore_mem>>) src(%dma_wait3A_121 : memref<5x8x128xf32, #tpu.memory_space<hbm>>) dst(%dma_wait3A_119 : memref<5x8x128xf32, #tpu.memory_space<vmem>>)
    %dma_wait3A_122 = arith.constant 1 : i32
    %dma_wait3A_123 = arith.constant 0 : i32
    %dma_wait3A_124 = arith.constant 0 : i32
    %dma_wait3A_125 = arith.constant 0 : i32
    %dma_wait3A_126 = tpu.memref_slice %arg6[%dma_wait3A_123, %dma_wait3A_122, %dma_wait3A_124, %dma_wait3A_125] : memref<5x2x8x128xf32, #tpu.memory_space<vmem>> -> memref<5x1x8x128xf32, #tpu.memory_space<vmem>>
    %dma_wait3A_127 = tpu.memref_squeeze %dma_wait3A_126 : memref<5x1x8x128xf32, #tpu.memory_space<vmem>> -> memref<5x8x128xf32, #tpu.memory_space<vmem>>
    %dma_wait3A_128 = arith.constant 0 : i32
    %dma_wait3A_129 = tpu.memref_slice %arg3[%dma_wait3A_128, %mul3A_2, %add3A_41] : memref<5x16x4096xf32, #tpu.memory_space<hbm>> -> memref<5x8x128xf32, #tpu.memory_space<hbm>>
    %dma_wait3A_130 = arith.constant 0 : i32
    %dma_wait3A_131 = arith.constant 0 : i32
    %dma_wait3A_132 = arith.constant 0 : i32
    %dma_wait3A_133 = tpu.memref_slice %arg6[%dma_wait3A_130, %dma_wait3A_122, %dma_wait3A_131, %dma_wait3A_132] : memref<5x2x8x128xf32, #tpu.memory_space<vmem>> -> memref<5x1x8x128xf32, #tpu.memory_space<vmem>>
    %dma_wait3A_134 = tpu.memref_squeeze %dma_wait3A_133 : memref<5x1x8x128xf32, #tpu.memory_space<vmem>> -> memref<5x8x128xf32, #tpu.memory_space<vmem>>
    %dma_wait3A_135 = arith.constant 0 : i32
    %dma_wait3A_136 = tpu.memref_slice %arg3[%dma_wait3A_135, %mul3A_2, %add3A_41] : memref<5x16x4096xf32, #tpu.memory_space<hbm>> -> memref<5x8x128xf32, #tpu.memory_space<hbm>>
    tpu.wait_dma2 semaphore(%arg8 : memref<!tpu.dma_semaphore, #tpu.memory_space<semaphore_mem>>) src(%dma_wait3A_136 : memref<5x8x128xf32, #tpu.memory_space<hbm>>) dst(%dma_wait3A_134 : memref<5x8x128xf32, #tpu.memory_space<vmem>>)
    %scan3A_137 = arith.constant 64 : i32
    %scan3A_138 = arith.constant 64 : i32
    %scan3A_139 = arith.addi %scan3A_137, %scan3A_138 : i32
    %scan3A_140 = arith.constant 1 : i32
    %scan3A_141:3 = scf.for %scan3A_169 = %scan3A_137 to %scan3A_139 step %scan3A_140 iter_args(%scan3A_170 = %scan3A_105#0, %scan3A_171 = %scan3A_105#1, %scan3A_172 = %scan3A_105#2) -> (vector<16xf32>, vector<16xf32>, vector<16xf32>)  : i32 {
      %shift_right_logical3A = arith.constant 6 : i32
      %shift_right_logical3A_173 = arith.shrui %scan3A_169, %shift_right_logical3A : i32
      %shift_right_logical3A_174 = arith.constant 3 : i32
      %shift_right_logical3A_175 = arith.shrui %scan3A_169, %shift_right_logical3A_174 : i32
      %and3A = arith.constant 7 : i32
      %and3A_176 = arith.andi %shift_right_logical3A_175, %and3A : i32
      %and3A_177 = arith.constant 7 : i32
      %and3A_178 = arith.andi %scan3A_169, %and3A_177 : i32
      %mul3A_179 = arith.constant 16 : i32
      %mul3A_180 = arith.muli %and3A_178, %mul3A_179 : i32
      %get3A = arith.constant 0 : i32
      %get3A_181 = arith.index_cast %get3A : i32 to index
      %get3A_182 = arith.index_cast %shift_right_logical3A_173 : i32 to index
      %get3A_183 = arith.index_cast %and3A_176 : i32 to index
      %get3A_184 = arith.index_cast %mul3A_180 : i32 to index
      %get3A_185 = tpu.vector_load %arg5[%get3A_181, %get3A_182, %get3A_183, %get3A_184] {strides = array<i32>} : memref<5x2x8x128xf32, #tpu.memory_space<vmem>>, vector<16xf32>,
      %get3A_186 = arith.constant 0 : i32
      %get3A_187 = arith.index_cast %get3A_186 : i32 to index
      %get3A_188 = arith.index_cast %shift_right_logical3A_173 : i32 to index
      %get3A_189 = arith.index_cast %and3A_176 : i32 to index
      %get3A_190 = arith.index_cast %mul3A_180 : i32 to index
      %get3A_191 = tpu.vector_load %arg6[%get3A_187, %get3A_188, %get3A_189, %get3A_190] {strides = array<i32>} : memref<5x2x8x128xf32, #tpu.memory_space<vmem>>, vector<16xf32>,
      %get3A_192 = arith.constant 1 : i32
      %get3A_193 = arith.index_cast %get3A_192 : i32 to index
      %get3A_194 = arith.index_cast %shift_right_logical3A_173 : i32 to index
      %get3A_195 = arith.index_cast %and3A_176 : i32 to index
      %get3A_196 = arith.index_cast %mul3A_180 : i32 to index
      %get3A_197 = tpu.vector_load %arg5[%get3A_193, %get3A_194, %get3A_195, %get3A_196] {strides = array<i32>} : memref<5x2x8x128xf32, #tpu.memory_space<vmem>>, vector<16xf32>,
      %get3A_198 = arith.constant 2 : i32
      %get3A_199 = arith.index_cast %get3A_198 : i32 to index
      %get3A_200 = arith.index_cast %shift_right_logical3A_173 : i32 to index
      %get3A_201 = arith.index_cast %and3A_176 : i32 to index
      %get3A_202 = arith.index_cast %mul3A_180 : i32 to index
      %get3A_203 = tpu.vector_load %arg5[%get3A_199, %get3A_200, %get3A_201, %get3A_202] {strides = array<i32>} : memref<5x2x8x128xf32, #tpu.memory_space<vmem>>, vector<16xf32>,
      %get3A_204 = arith.constant 3 : i32
      %get3A_205 = arith.index_cast %get3A_204 : i32 to index
      %get3A_206 = arith.index_cast %shift_right_logical3A_173 : i32 to index
      %get3A_207 = arith.index_cast %and3A_176 : i32 to index
      %get3A_208 = arith.index_cast %mul3A_180 : i32 to index
      %get3A_209 = tpu.vector_load %arg5[%get3A_205, %get3A_206, %get3A_207, %get3A_208] {strides = array<i32>} : memref<5x2x8x128xf32, #tpu.memory_space<vmem>>, vector<16xf32>,
      %get3A_210 = arith.constant 4 : i32
      %get3A_211 = arith.index_cast %get3A_210 : i32 to index
      %get3A_212 = arith.index_cast %shift_right_logical3A_173 : i32 to index
      %get3A_213 = arith.index_cast %and3A_176 : i32 to index
      %get3A_214 = arith.index_cast %mul3A_180 : i32 to index
      %get3A_215 = tpu.vector_load %arg5[%get3A_211, %get3A_212, %get3A_213, %get3A_214] {strides = array<i32>} : memref<5x2x8x128xf32, #tpu.memory_space<vmem>>, vector<16xf32>,
      %get3A_216 = arith.constant 1 : i32
      %get3A_217 = arith.index_cast %get3A_216 : i32 to index
      %get3A_218 = arith.index_cast %shift_right_logical3A_173 : i32 to index
      %get3A_219 = arith.index_cast %and3A_176 : i32 to index
      %get3A_220 = arith.index_cast %mul3A_180 : i32 to index
      %get3A_221 = tpu.vector_load %arg6[%get3A_217, %get3A_218, %get3A_219, %get3A_220] {strides = array<i32>} : memref<5x2x8x128xf32, #tpu.memory_space<vmem>>, vector<16xf32>,
      %get3A_222 = arith.constant 2 : i32
      %get3A_223 = arith.index_cast %get3A_222 : i32 to index
      %get3A_224 = arith.index_cast %shift_right_logical3A_173 : i32 to index
      %get3A_225 = arith.index_cast %and3A_176 : i32 to index
      %get3A_226 = arith.index_cast %mul3A_180 : i32 to index
      %get3A_227 = tpu.vector_load %arg6[%get3A_223, %get3A_224, %get3A_225, %get3A_226] {strides = array<i32>} : memref<5x2x8x128xf32, #tpu.memory_space<vmem>>, vector<16xf32>,
      %get3A_228 = arith.constant 3 : i32
      %get3A_229 = arith.index_cast %get3A_228 : i32 to index
      %get3A_230 = arith.index_cast %shift_right_logical3A_173 : i32 to index
      %get3A_231 = arith.index_cast %and3A_176 : i32 to index
      %get3A_232 = arith.index_cast %mul3A_180 : i32 to index
      %get3A_233 = tpu.vector_load %arg6[%get3A_229, %get3A_230, %get3A_231, %get3A_232] {strides = array<i32>} : memref<5x2x8x128xf32, #tpu.memory_space<vmem>>, vector<16xf32>,
      %get3A_234 = arith.constant 4 : i32
      %get3A_235 = arith.index_cast %get3A_234 : i32 to index
      %get3A_236 = arith.index_cast %shift_right_logical3A_173 : i32 to index
      %get3A_237 = arith.index_cast %and3A_176 : i32 to index
      %get3A_238 = arith.index_cast %mul3A_180 : i32 to index
      %get3A_239 = tpu.vector_load %arg6[%get3A_235, %get3A_236, %get3A_237, %get3A_238] {strides = array<i32>} : memref<5x2x8x128xf32, #tpu.memory_space<vmem>>, vector<16xf32>,
      %eq3A_240 = arith.constant 1.000000e+00 : f32
      %eq3A_241 = vector.broadcast %eq3A_240 : f32 to vector<16xf32>
      %eq3A_242 = arith.cmpf oeq, %get3A_185, %eq3A_241 : vector<16xf32>
      %neg3A = arith.constant 0.000000e+00 : f32
      %neg3A_243 = vector.broadcast %neg3A : f32 to vector<16xf32>
      %neg3A_244 = arith.subf %neg3A_243, %get3A_191 : vector<16xf32>
      %select_n3A_245 = arith.select %eq3A_242, %get3A_191, %neg3A_244 : vector<16xi1>, vector<16xf32>
      %neg3A_246 = arith.constant 0.000000e+00 : f32
      %neg3A_247 = vector.broadcast %neg3A_246 : f32 to vector<16xf32>
      %neg3A_248 = arith.subf %neg3A_247, %select_n3A_245 : vector<16xf32>
      %exp3A = math.exp %neg3A_248 : vector<16xf32>
      %add3A_249 = arith.constant 1.000000e+00 : f32
      %add3A_250 = vector.broadcast %add3A_249 : f32 to vector<16xf32>
      %add3A_251 = arith.addf %add3A_250, %exp3A : vector<16xf32>
      %div3A = arith.constant 1.000000e+00 : f32
      %div3A_252 = vector.broadcast %div3A : f32 to vector<16xf32>
      %div3A_253 = arith.divf %div3A_252, %add3A_251 : vector<16xf32>
      %jit3A_254 = arith.constant 2.500000e-01 : f32
      %jit3A_255 = arith.constant 7.500000e-01 : f32
      %broadcast_in_dim3A_256 = vector.broadcast %jit3A_254 : f32 to vector<16xf32>
      %broadcast_in_dim3A_257 = vector.broadcast %jit3A_255 : f32 to vector<16xf32>
      %select_n3A_258 = arith.select %eq3A_242, %broadcast_in_dim3A_256, %broadcast_in_dim3A_257 : vector<16xi1>, vector<16xf32>
      %sub3A = arith.constant 1.000000e+00 : f32
      %sub3A_259 = vector.broadcast %sub3A : f32 to vector<16xf32>
      %sub3A_260 = arith.subf %sub3A_259, %div3A_253 : vector<16xf32>
      %mul3A_261 = arith.mulf %sub3A_260, %sub3A_260 : vector<16xf32>
      %mul3A_262 = arith.mulf %select_n3A_258, %mul3A_261 : vector<16xf32>
      %add3A_263 = arith.constant 1.000000e-07 : f32
      %add3A_264 = vector.broadcast %add3A_263 : f32 to vector<16xf32>
      %add3A_265 = arith.addf %div3A_253, %add3A_264 : vector<16xf32>
      %bitcast3A = vector.bitcast %add3A_265 : vector<16xf32> to vector<16xi32>
      %shift_right_logical3A_266 = arith.constant 23 : i32
      %shift_right_logical3A_267 = vector.broadcast %shift_right_logical3A_266 : i32 to vector<16xi32>
      %shift_right_logical3A_268 = arith.shrui %bitcast3A, %shift_right_logical3A_267 : vector<16xi32>
      %sub3A_269 = arith.constant 127 : i32
      %sub3A_270 = vector.broadcast %sub3A_269 : i32 to vector<16xi32>
      %sub3A_271 = arith.subi %shift_right_logical3A_268, %sub3A_270 : vector<16xi32>
      %and3A_272 = arith.constant 8388607 : i32
      %and3A_273 = vector.broadcast %and3A_272 : i32 to vector<16xi32>
      %and3A_274 = arith.andi %bitcast3A, %and3A_273 : vector<16xi32>
      %or3A = arith.constant 1065353216 : i32
      %or3A_275 = vector.broadcast %or3A : i32 to vector<16xi32>
      %or3A_276 = arith.ori %and3A_274, %or3A_275 : vector<16xi32>
      %bitcast3A_277 = vector.bitcast %or3A_276 : vector<16xi32> to vector<16xf32>
      %sub3A_278 = arith.constant 1.000000e+00 : f32
      %sub3A_279 = vector.broadcast %sub3A_278 : f32 to vector<16xf32>
      %sub3A_280 = arith.subf %bitcast3A_277, %sub3A_279 : vector<16xf32>
      %broadcast_in_dim3A_281 = arith.constant 0.00375262415 : f32
      %broadcast_in_dim3A_282 = vector.broadcast %broadcast_in_dim3A_281 : f32 to vector<16xf32>
      %mul3A_283 = arith.mulf %broadcast_in_dim3A_282, %sub3A_280 : vector<16xf32>
      %add3A_284 = arith.constant -0.0230382793 : f32
      %add3A_285 = vector.broadcast %add3A_284 : f32 to vector<16xf32>
      %add3A_286 = arith.addf %mul3A_283, %add3A_285 : vector<16xf32>
      %mul3A_287 = arith.mulf %add3A_286, %sub3A_280 : vector<16xf32>
      %add3A_288 = arith.constant 0.0665124804 : f32
      %add3A_289 = vector.broadcast %add3A_288 : f32 to vector<16xf32>
      %add3A_290 = arith.addf %mul3A_287, %add3A_289 : vector<16xf32>
      %mul3A_291 = arith.mulf %add3A_290, %sub3A_280 : vector<16xf32>
      %add3A_292 = arith.constant -0.125266612 : f32
      %add3A_293 = vector.broadcast %add3A_292 : f32 to vector<16xf32>
      %add3A_294 = arith.addf %mul3A_291, %add3A_293 : vector<16xf32>
      %mul3A_295 = arith.mulf %add3A_294, %sub3A_280 : vector<16xf32>
      %add3A_296 = arith.constant 0.184688479 : f32
      %add3A_297 = vector.broadcast %add3A_296 : f32 to vector<16xf32>
      %add3A_298 = arith.addf %mul3A_295, %add3A_297 : vector<16xf32>
      %mul3A_299 = arith.mulf %add3A_298, %sub3A_280 : vector<16xf32>
      %add3A_300 = arith.constant -0.246356606 : f32
      %add3A_301 = vector.broadcast %add3A_300 : f32 to vector<16xf32>
      %add3A_302 = arith.addf %mul3A_299, %add3A_301 : vector<16xf32>
      %mul3A_303 = arith.mulf %add3A_302, %sub3A_280 : vector<16xf32>
      %add3A_304 = arith.constant 0.332818419 : f32
      %add3A_305 = vector.broadcast %add3A_304 : f32 to vector<16xf32>
      %add3A_306 = arith.addf %mul3A_303, %add3A_305 : vector<16xf32>
      %mul3A_307 = arith.mulf %add3A_306, %sub3A_280 : vector<16xf32>
      %add3A_308 = arith.constant -0.49996224 : f32
      %add3A_309 = vector.broadcast %add3A_308 : f32 to vector<16xf32>
      %add3A_310 = arith.addf %mul3A_307, %add3A_309 : vector<16xf32>
      %mul3A_311 = arith.mulf %add3A_310, %sub3A_280 : vector<16xf32>
      %add3A_312 = arith.constant 0.999998927 : f32
      %add3A_313 = vector.broadcast %add3A_312 : f32 to vector<16xf32>
      %add3A_314 = arith.addf %mul3A_311, %add3A_313 : vector<16xf32>
      %mul3A_315 = arith.mulf %add3A_314, %sub3A_280 : vector<16xf32>
      %add3A_316 = arith.constant 5.23940269E-9 : f32
      %add3A_317 = vector.broadcast %add3A_316 : f32 to vector<16xf32>
      %add3A_318 = arith.addf %mul3A_315, %add3A_317 : vector<16xf32>
      %convert_element_type3A = arith.sitofp %sub3A_271 : vector<16xi32> to vector<16xf32>
      %mul3A_319 = arith.constant 0.693147182 : f32
      %mul3A_320 = vector.broadcast %mul3A_319 : f32 to vector<16xf32>
      %mul3A_321 = arith.mulf %convert_element_type3A, %mul3A_320 : vector<16xf32>
      %add3A_322 = arith.addf %mul3A_321, %add3A_318 : vector<16xf32>
      %mul3A_323 = arith.mulf %mul3A_262, %add3A_322 : vector<16xf32>
      %add3A_324 = arith.addf %get3A_209, %get3A_197 : vector<16xf32>
      %add3A_325 = arith.addf %get3A_215, %get3A_203 : vector<16xf32>
      %mul3A_326 = arith.mulf %add3A_324, %add3A_325 : vector<16xf32>
      %add3A_327 = arith.addf %get3A_233, %get3A_221 : vector<16xf32>
      %add3A_328 = arith.addf %get3A_239, %get3A_227 : vector<16xf32>
      %mul3A_329 = arith.mulf %add3A_327, %add3A_328 : vector<16xf32>
      %max3A = arith.constant 0.000000e+00 : f32
      %max3A_330 = vector.broadcast %max3A : f32 to vector<16xf32>
      %max3A_331 = arith.maximumf %mul3A_329, %max3A_330 : vector<16xf32>
      %min3A = arith.minimumf %get3A_209, %get3A_233 : vector<16xf32>
      %min3A_332 = arith.minimumf %get3A_197, %get3A_221 : vector<16xf32>
      %add3A_333 = arith.addf %min3A, %min3A_332 : vector<16xf32>
      %max3A_334 = arith.constant 0.000000e+00 : f32
      %max3A_335 = vector.broadcast %max3A_334 : f32 to vector<16xf32>
      %max3A_336 = arith.maximumf %add3A_333, %max3A_335 : vector<16xf32>
      %min3A_337 = arith.minimumf %get3A_215, %get3A_239 : vector<16xf32>
      %min3A_338 = arith.minimumf %get3A_203, %get3A_227 : vector<16xf32>
      %add3A_339 = arith.addf %min3A_337, %min3A_338 : vector<16xf32>
      %max3A_340 = arith.constant 0.000000e+00 : f32
      %max3A_341 = vector.broadcast %max3A_340 : f32 to vector<16xf32>
      %max3A_342 = arith.maximumf %add3A_339, %max3A_341 : vector<16xf32>
      %mul3A_343 = arith.mulf %max3A_336, %max3A_342 : vector<16xf32>
      %add3A_344 = arith.addf %mul3A_326, %max3A_331 : vector<16xf32>
      %sub3A_345 = arith.subf %add3A_344, %mul3A_343 : vector<16xf32>
      %add3A_346 = arith.constant 1.000000e-07 : f32
      %add3A_347 = vector.broadcast %add3A_346 : f32 to vector<16xf32>
      %add3A_348 = arith.addf %sub3A_345, %add3A_347 : vector<16xf32>
      %div3A_349 = arith.divf %mul3A_343, %add3A_348 : vector<16xf32>
      %add3A_350 = arith.constant 1.000000e-07 : f32
      %add3A_351 = vector.broadcast %add3A_350 : f32 to vector<16xf32>
      %add3A_352 = arith.addf %div3A_349, %add3A_351 : vector<16xf32>
      %bitcast3A_353 = vector.bitcast %add3A_352 : vector<16xf32> to vector<16xi32>
      %shift_right_logical3A_354 = arith.constant 23 : i32
      %shift_right_logical3A_355 = vector.broadcast %shift_right_logical3A_354 : i32 to vector<16xi32>
      %shift_right_logical3A_356 = arith.shrui %bitcast3A_353, %shift_right_logical3A_355 : vector<16xi32>
      %sub3A_357 = arith.constant 127 : i32
      %sub3A_358 = vector.broadcast %sub3A_357 : i32 to vector<16xi32>
      %sub3A_359 = arith.subi %shift_right_logical3A_356, %sub3A_358 : vector<16xi32>
      %and3A_360 = arith.constant 8388607 : i32
      %and3A_361 = vector.broadcast %and3A_360 : i32 to vector<16xi32>
      %and3A_362 = arith.andi %bitcast3A_353, %and3A_361 : vector<16xi32>
      %or3A_363 = arith.constant 1065353216 : i32
      %or3A_364 = vector.broadcast %or3A_363 : i32 to vector<16xi32>
      %or3A_365 = arith.ori %and3A_362, %or3A_364 : vector<16xi32>
      %bitcast3A_366 = vector.bitcast %or3A_365 : vector<16xi32> to vector<16xf32>
      %sub3A_367 = arith.constant 1.000000e+00 : f32
      %sub3A_368 = vector.broadcast %sub3A_367 : f32 to vector<16xf32>
      %sub3A_369 = arith.subf %bitcast3A_366, %sub3A_368 : vector<16xf32>
      %broadcast_in_dim3A_370 = arith.constant 0.00375262415 : f32
      %broadcast_in_dim3A_371 = vector.broadcast %broadcast_in_dim3A_370 : f32 to vector<16xf32>
      %mul3A_372 = arith.mulf %broadcast_in_dim3A_371, %sub3A_369 : vector<16xf32>
      %add3A_373 = arith.constant -0.0230382793 : f32
      %add3A_374 = vector.broadcast %add3A_373 : f32 to vector<16xf32>
      %add3A_375 = arith.addf %mul3A_372, %add3A_374 : vector<16xf32>
      %mul3A_376 = arith.mulf %add3A_375, %sub3A_369 : vector<16xf32>
      %add3A_377 = arith.constant 0.0665124804 : f32
      %add3A_378 = vector.broadcast %add3A_377 : f32 to vector<16xf32>
      %add3A_379 = arith.addf %mul3A_376, %add3A_378 : vector<16xf32>
      %mul3A_380 = arith.mulf %add3A_379, %sub3A_369 : vector<16xf32>
      %add3A_381 = arith.constant -0.125266612 : f32
      %add3A_382 = vector.broadcast %add3A_381 : f32 to vector<16xf32>
      %add3A_383 = arith.addf %mul3A_380, %add3A_382 : vector<16xf32>
      %mul3A_384 = arith.mulf %add3A_383, %sub3A_369 : vector<16xf32>
      %add3A_385 = arith.constant 0.184688479 : f32
      %add3A_386 = vector.broadcast %add3A_385 : f32 to vector<16xf32>
      %add3A_387 = arith.addf %mul3A_384, %add3A_386 : vector<16xf32>
      %mul3A_388 = arith.mulf %add3A_387, %sub3A_369 : vector<16xf32>
      %add3A_389 = arith.constant -0.246356606 : f32
      %add3A_390 = vector.broadcast %add3A_389 : f32 to vector<16xf32>
      %add3A_391 = arith.addf %mul3A_388, %add3A_390 : vector<16xf32>
      %mul3A_392 = arith.mulf %add3A_391, %sub3A_369 : vector<16xf32>
      %add3A_393 = arith.constant 0.332818419 : f32
      %add3A_394 = vector.broadcast %add3A_393 : f32 to vector<16xf32>
      %add3A_395 = arith.addf %mul3A_392, %add3A_394 : vector<16xf32>
      %mul3A_396 = arith.mulf %add3A_395, %sub3A_369 : vector<16xf32>
      %add3A_397 = arith.constant -0.49996224 : f32
      %add3A_398 = vector.broadcast %add3A_397 : f32 to vector<16xf32>
      %add3A_399 = arith.addf %mul3A_396, %add3A_398 : vector<16xf32>
      %mul3A_400 = arith.mulf %add3A_399, %sub3A_369 : vector<16xf32>
      %add3A_401 = arith.constant 0.999998927 : f32
      %add3A_402 = vector.broadcast %add3A_401 : f32 to vector<16xf32>
      %add3A_403 = arith.addf %mul3A_400, %add3A_402 : vector<16xf32>
      %mul3A_404 = arith.mulf %add3A_403, %sub3A_369 : vector<16xf32>
      %add3A_405 = arith.constant 5.23940269E-9 : f32
      %add3A_406 = vector.broadcast %add3A_405 : f32 to vector<16xf32>
      %add3A_407 = arith.addf %mul3A_404, %add3A_406 : vector<16xf32>
      %convert_element_type3A_408 = arith.sitofp %sub3A_359 : vector<16xi32> to vector<16xf32>
      %mul3A_409 = arith.constant 0.693147182 : f32
      %mul3A_410 = vector.broadcast %mul3A_409 : f32 to vector<16xf32>
      %mul3A_411 = arith.mulf %convert_element_type3A_408, %mul3A_410 : vector<16xf32>
      %add3A_412 = arith.addf %mul3A_411, %add3A_407 : vector<16xf32>
      %jit3A_413 = arith.constant 0.000000e+00 : f32
      %broadcast_in_dim3A_414 = vector.broadcast %jit3A_413 : f32 to vector<16xf32>
      %select_n3A_415 = arith.select %eq3A_242, %add3A_412, %broadcast_in_dim3A_414 : vector<16xi1>, vector<16xf32>
      %add3A_416 = arith.addf %scan3A_170, %mul3A_323 : vector<16xf32>
      %add3A_417 = arith.addf %scan3A_171, %select_n3A_415 : vector<16xf32>
      %jit3A_418 = arith.constant 1.000000e+00 : f32
      %jit3A_419 = arith.constant 0.000000e+00 : f32
      %broadcast_in_dim3A_420 = vector.broadcast %jit3A_418 : f32 to vector<16xf32>
      %broadcast_in_dim3A_421 = vector.broadcast %jit3A_419 : f32 to vector<16xf32>
      %select_n3A_422 = arith.select %eq3A_242, %broadcast_in_dim3A_420, %broadcast_in_dim3A_421 : vector<16xi1>, vector<16xf32>
      %add3A_423 = arith.addf %scan3A_172, %select_n3A_422 : vector<16xf32>
      scf.yield %add3A_416, %add3A_417, %add3A_423 : vector<16xf32>, vector<16xf32>, vector<16xf32>
    }
    %scan3A_142 = arith.constant 64 : i32
    %reduce_sum3A = arith.constant true
    %reduce_sum3A_143 = vector.broadcast %reduce_sum3A : i1 to vector<16xi1>
    %reduce_sum3A_144 = tpu.scan <sum>, %scan3A_141#0 masked %reduce_sum3A_143 : vector<16xf32>, vector<16xi1> -> vector<16xf32>
    %reduce_sum3A_145 = vector.extract %reduce_sum3A_144[15] : f32 from vector<16xf32>
    %reduce_sum3A_146 = arith.constant true
    %reduce_sum3A_147 = vector.broadcast %reduce_sum3A_146 : i1 to vector<16xi1>
    %reduce_sum3A_148 = tpu.scan <sum>, %scan3A_141#1 masked %reduce_sum3A_147 : vector<16xf32>, vector<16xi1> -> vector<16xf32>
    %reduce_sum3A_149 = vector.extract %reduce_sum3A_148[15] : f32 from vector<16xf32>
    %reduce_sum3A_150 = arith.constant true
    %reduce_sum3A_151 = vector.broadcast %reduce_sum3A_150 : i1 to vector<16xi1>
    %reduce_sum3A_152 = tpu.scan <sum>, %scan3A_141#2 masked %reduce_sum3A_151 : vector<16xf32>, vector<16xi1> -> vector<16xf32>
    %reduce_sum3A_153 = vector.extract %reduce_sum3A_152[15] : f32 from vector<16xf32>
    %iota3A = tpu.iota {dimensions = array<i32: 0>} : vector<16xi32>
    %eq3A = arith.constant 0 : i32
    %eq3A_154 = vector.broadcast %eq3A : i32 to vector<16xi32>
    %eq3A_155 = arith.cmpi eq, %iota3A, %eq3A_154 : vector<16xi32>
    %eq3A_156 = arith.constant 1 : i32
    %eq3A_157 = vector.broadcast %eq3A_156 : i32 to vector<16xi32>
    %eq3A_158 = arith.cmpi eq, %iota3A, %eq3A_157 : vector<16xi32>
    %eq3A_159 = arith.constant 2 : i32
    %eq3A_160 = vector.broadcast %eq3A_159 : i32 to vector<16xi32>
    %eq3A_161 = arith.cmpi eq, %iota3A, %eq3A_160 : vector<16xi32>
    %jit3A = arith.constant 0.000000e+00 : f32
    %broadcast_in_dim3A_162 = vector.broadcast %reduce_sum3A_153 : f32 to vector<16xf32>
    %broadcast_in_dim3A_163 = vector.broadcast %jit3A : f32 to vector<16xf32>
    %select_n3A = arith.select %eq3A_161, %broadcast_in_dim3A_162, %broadcast_in_dim3A_163 : vector<16xi1>, vector<16xf32>
    %broadcast_in_dim3A_164 = vector.broadcast %reduce_sum3A_149 : f32 to vector<16xf32>
    %select_n3A_165 = arith.select %eq3A_158, %broadcast_in_dim3A_164, %select_n3A : vector<16xi1>, vector<16xf32>
    %broadcast_in_dim3A_166 = vector.broadcast %reduce_sum3A_145 : f32 to vector<16xf32>
    %select_n3A_167 = arith.select %eq3A_155, %broadcast_in_dim3A_166, %select_n3A_165 : vector<16xi1>, vector<16xf32>
    %swap3A = arith.constant 0 : index
    %swap3A_168 = tpu.vector_load %arg7[%swap3A] {strides = array<i32>} : memref<16xf32, #tpu.memory_space<vmem>>, vector<16xf32>,
    tpu.vector_store %arg7[%swap3A], %select_n3A_167 {strides = array<i32>} : memref<16xf32, #tpu.memory_space<vmem>>, vector<16xf32>,
    "tpu.region"() ({
      %run_scoped3A = tpu.sem_alloc : memref<!tpu.dma_semaphore, #tpu.memory_space<semaphore_mem>>
      %dma_start3A_169 = arith.constant 0 : i32
      %dma_start3A_170 = tpu.memref_slice %arg4[%add3A, %dma_start3A_169] : memref<32x16xf32, #tpu.memory_space<hbm>> -> memref<1x16xf32, #tpu.memory_space<hbm>>
      %dma_start3A_171 = tpu.memref_squeeze %dma_start3A_170 : memref<1x16xf32, #tpu.memory_space<hbm>> -> memref<16xf32, #tpu.memory_space<hbm>>
      %dma_start3A_172 = arith.constant 0 : i32
      %dma_start3A_173 = tpu.memref_slice %arg4[%add3A, %dma_start3A_172] : memref<32x16xf32, #tpu.memory_space<hbm>> -> memref<1x16xf32, #tpu.memory_space<hbm>>
      %dma_start3A_174 = tpu.memref_squeeze %dma_start3A_173 : memref<1x16xf32, #tpu.memory_space<hbm>> -> memref<16xf32, #tpu.memory_space<hbm>>
      tpu.enqueue_dma source(%arg7 : memref<16xf32, #tpu.memory_space<vmem>>) target(%dma_start3A_174 : memref<16xf32, #tpu.memory_space<hbm>>) target_semaphore(%run_scoped3A : memref<!tpu.dma_semaphore, #tpu.memory_space<semaphore_mem>>)
      %dma_wait3A_175 = arith.constant 0 : i32
      %dma_wait3A_176 = tpu.memref_slice %arg4[%add3A, %dma_wait3A_175] : memref<32x16xf32, #tpu.memory_space<hbm>> -> memref<1x16xf32, #tpu.memory_space<hbm>>
      %dma_wait3A_177 = tpu.memref_squeeze %dma_wait3A_176 : memref<1x16xf32, #tpu.memory_space<hbm>> -> memref<16xf32, #tpu.memory_space<hbm>>
      %dma_wait3A_178 = arith.constant 0 : i32
      %dma_wait3A_179 = tpu.memref_slice %arg4[%add3A, %dma_wait3A_178] : memref<32x16xf32, #tpu.memory_space<hbm>> -> memref<1x16xf32, #tpu.memory_space<hbm>>
      %dma_wait3A_180 = tpu.memref_squeeze %dma_wait3A_179 : memref<1x16xf32, #tpu.memory_space<hbm>> -> memref<16xf32, #tpu.memory_space<hbm>>
      tpu.wait_dma2 semaphore(%run_scoped3A : memref<!tpu.dma_semaphore, #tpu.memory_space<semaphore_mem>>) src(%arg7 : memref<16xf32, #tpu.memory_space<vmem>>) dst(%dma_wait3A_180 : memref<16xf32, #tpu.memory_space<hbm>>)
      tpu.yield
    }) : () -> ()
    return
  }
}

</mosaic_0001>

<sc_bundles>
// kernel: kernel.3.cloned.1.call-start
scs
__scs_entry_jumppad:
0x0: {  	(pc) =	sbr.rel $0x88, $3  }
0x1: {  	(tag) =	ssettag $0x0;
	lr =	simm.s32 $0x1  }
0x2: {  	[smem:$0x3F9F] =	sst lr;
	_ =	strace $0xD0000000  }
0x3: {  	_ = 	snop  }
0x4: {  	_ = 	snop  }
0x5: {  	_ = 	snop  }
0x6: {  	_ = 	snop  }
0x7: {  	_ = 	snop  }
__scs_overlays_trampoline_lowered:
0x8: {  	[smem:$0x3FAE] =	sst s0  }
0x9: {  	[smem:$0x3FAF] =	sst s1  }
0xa: {  	[smem:$0x3FB0] =	sst s2  }
0xb: {  	[smem:$0x3FB1] =	sst s3  }
0xc: {  	[smem:$0x3FB2] =	sst s4  }
0xd: {  	[smem:$0x3FB3] =	sst s5  }
0xe: {  	[smem:$0x3FB4] =	sst s6  }
0xf: {  	[smem:$0x3FB5] =	sst s7  }
0x10: {  	[smem:$0x3FB6] =	sst s8  }
0x11: {  	[smem:$0x3FB7] =	sst s9;
	s0 =	simm.s32 @!p0 $0x0  }
0x12: {  	s1 =	sld [smem:$0x3F9D];
	s0 =	simm.s32 @p0 $0x1  }
0x13: {  	[smem:$0x3FB8] =	sst s0;
	s0 =	simm.s32 @!p1 $0x0  }
0x14: {  	s2 =	sld [smem:$0x3F9C];
	s0 =	simm.s32 @p1 $0x1  }
0x15: {  	[smem:$0x3FB9] =	sst s0;
	s0 =	simm.s32 @!p2 $0x0  }
0x16: {  	s3 =	sld [smem:$0x3FDB];
	s0 =	simm.s32 @p2 $0x1  }
0x17: {  	s4 =	simm.s32 $0x1BF5;
	[smem:$0x3FBB] =	sst s0  }
0x18: {  	s0 =	sld [smem:$0x3F9E];
	_ =	swait.ge [sflag:s4], $0x0  }
0x19: {  	s7 =	sld [smem:$0x3F9F]  }
0x1a: {  	s8 =	sadd.s32 $0xFFFFE003, lr  }
0x1b: {  	s9 =	sadd.s32 $0xFFFFFEF7, lr;
	s5 =	simm.s32 $0xFFFFFFFF;
	p2 =	slt.u32 s8, $0xFFFFF086  }
0x1c: {  	p1 =	slt.u32 s9, $0xF7A;
	s5 =	simm.s32 @!p2 $0x0  }
0x1d: {  	s5 =	simm.s32 @p1 $0x1;
	p0 =	seq.s32 s7, s2  }
0x1e: {  	s7 =	smul.u32 @!p0 $0xF7A, s2;
	p2 =	seq.s32 @!p0 s5, $0x0  }
0x1f: {  	s9 =	smul.u32 $0xF7A, s1;
	s8 =	simm.s32 @!p0 $0x1BF5;
	p2 =	por !p2, p0  }
0x20: {  	[sflag:s8] =	ssyncset.s32 @!p0 $0xFFFFF086;
	s6 =	sadd.s32 @!p0 s3, s7;
	s7 =	simm.s32 @!p0 $0x108  }
0x21: {  	s3 =	sadd.s32 s3, s9;
	s6 =	sadd.s32 @!p0 $0x88, s6;
	s7 =	simm.s32 @p2 $0x1082  }
0x22: {  	[simem:s7], [sflag:s8] =	dma.local @!p0 [hbm:s6], $0xF7A  }
0x23: {  	s9 =	sor.u32 $0xD0000000, s2;
	s6 =	simm.s32 $0x108;
	_ =	swait.ge @!p0 [sflag:s8], $0x0  }
0x24: {  	s3 =	sadd.s32 $0x88, s3;
	s6 =	simm.s32 @!p1 $0x1082;
	[sflag:s4] =	ssyncset.s32 $0xFFFFF086  }
0x25: {  	[simem:s6], [sflag:s4] =	dma.local [hbm:s3], $0xF7A  }
0x26: {  	[smem:$0x3F9F] =	sst s1;
	(tag) =	ssettag s2;
	_ =	strace s9  }
0x27: {  	s1 =	sld [smem:$0x3FAF]  }
0x28: {  	s2 =	sld [smem:$0x3FB0]  }
0x29: {  	s4 =	sld [smem:$0x3FB2]  }
0x2a: {  	p0 =	seq.s32 s5, $0x0;
	s5 =	sld [smem:$0x3FB3]  }
0x2b: {  	s6 =	sld [smem:$0x3FB4]  }
0x2c: {  	s7 =	sld [smem:$0x3FB5]  }
0x2d: {  	s3 =	simm.s32 $0x108;
	s8 =	sld [smem:$0x3FB6]  }
0x2e: {  	s3 =	simm.s32 @!p0 $0x1082;
	s9 =	sld [smem:$0x3FB7]  }
0x2f: {  	lr =	sadd.s32 s0, s3;
	s0 =	sld [smem:$0x3FAE]  }
0x30: {  	s3 =	sld [smem:$0x3FB1]  }
0x31: {  	[smem:$0x3FBA] =	sst s10  }
0x32: {  	s10 =	sld [smem:$0x3FB8];
	_ =	sdelay $0x3  }
0x33: {  	p0 =	seq.s32 s10, $0x1;
	s10 =	sld [smem:$0x3FBA];
	_ =	sdelay $0x3  }
0x34: {  	[smem:$0x3FBA] =	sst s10  }
0x35: {  	s10 =	sld [smem:$0x3FB9];
	_ =	sdelay $0x3  }
0x36: {  	p1 =	seq.s32 s10, $0x1;
	s10 =	sld [smem:$0x3FBA];
	_ =	sdelay $0x3  }
0x37: {  	[smem:$0x3FBA] =	sst s10  }
0x38: {  	s10 =	sld [smem:$0x3FBB]  }
0x39: {  	_ = 	snop;
	(pc) =	sbr.ind lr, $3  }
0x3a: {  	_ = 	snop  }
0x3b: {  	_ = 	snop  }
0x3c: {  	p2 =	seq.s32 s10, $0x1;
	s10 =	sld [smem:$0x3FBA]  }
0x3d: {  	_ =	shalt  }
0x3e: {  	_ =	shalt  }
0x3f: {  	_ =	shalt  }
0x40: {  	_ =	shalt  }
0x41: {  	_ =	shalt  }
0x42: {  	_ =	shalt  }
0x43: {  	_ =	shalt  }
0x44: {  	_ =	shalt  }
0x45: {  	_ =	shalt  }
0x46: {  	_ =	shalt  }
0x47: {  	_ =	shalt  }
0x48: {  	_ =	shalt  }
0x49: {  	_ =	shalt  }
0x4a: {  	_ =	shalt  }
0x4b: {  	_ =	shalt  }
0x4c: {  	_ =	shalt  }
0x4d: {  	_ =	shalt  }
0x4e: {  	_ =	shalt  }
0x4f: {  	_ =	shalt  }
0x50: {  	_ =	shalt  }
0x51: {  	_ =	shalt  }
0x52: {  	_ =	shalt  }
0x53: {  	_ =	shalt  }
0x54: {  	_ =	shalt  }
0x55: {  	_ =	shalt  }
0x56: {  	_ =	shalt  }
0x57: {  	_ =	shalt  }
0x58: {  	_ =	shalt  }
0x59: {  	_ =	shalt  }
0x5a: {  	_ =	shalt  }
0x5b: {  	_ =	shalt  }
0x5c: {  	_ =	shalt  }
0x5d: {  	_ =	shalt  }
0x5e: {  	_ =	shalt  }
0x5f: {  	_ =	shalt  }
0x60: {  	_ =	shalt  }
0x61: {  	_ =	shalt  }
0x62: {  	_ =	shalt  }
0x63: {  	_ =	shalt  }
0x64: {  	_ =	shalt  }
0x65: {  	_ =	shalt  }
0x66: {  	_ =	shalt  }
0x67: {  	_ =	shalt  }
0x68: {  	_ =	shalt  }
0x69: {  	_ =	shalt  }
0x6a: {  	_ =	shalt  }
0x6b: {  	_ =	shalt  }
0x6c: {  	_ =	shalt  }
0x6d: {  	_ =	shalt  }
0x6e: {  	_ =	shalt  }
0x6f: {  	_ =	shalt  }
0x70: {  	_ =	shalt  }
0x71: {  	_ =	shalt  }
0x72: {  	_ =	shalt  }
0x73: {  	_ =	shalt  }
0x74: {  	_ =	shalt  }
0x75: {  	_ =	shalt  }
0x76: {  	_ =	shalt  }
0x77: {  	_ =	shalt  }
0x78: {  	_ =	shalt  }
0x79: {  	_ =	shalt  }
0x7a: {  	_ =	shalt  }
0x7b: {  	_ =	shalt  }
0x7c: {  	_ =	shalt  }
0x7d: {  	_ =	shalt  }
0x7e: {  	_ =	shalt  }
0x7f: {  	_ =	shalt  }
0x80: {  	_ =	shalt  }
0x81: {  	_ =	shalt  }
0x82: {  	_ =	shalt  }
0x83: {  	_ =	shalt  }
0x84: {  	_ =	shalt  }
0x85: {  	_ =	shalt  }
0x86: {  	_ =	shalt  }
0x87: {  	_ =	shalt  }
.Lfunc_end0:
.L_simem_size_0:
called_computation_lowered:
.L_overlay_start_0:
0x88: {  	s2 =	sld [smem:$0x3FD9]  }
0x89: {  	s3 =	sld [smem:$0x3FFE];
	_ =	sdelay $0x1  }
0x8a: {  	s1 =	srdreg.scid  }
0x8b: {  	s0 =	sand.u32 $0x1, s1  }
0x8c: {  	s17 =	sshll.u32 s0, $0xA;
	s2 =	sadd.s32 s3, s2  }
0x8d: {  	s2 =	sadd.s32 s2, s17  }
0x8e: {  	[smem:$0x3FC6] =	sst s2  }
0x8f: {  	_ = 	snop  }
0x90: {  	s2 =	sld [smem:$0x3FC9]  }
0x91: {  	s18 =	sld [smem:$0x3FC8];
	(tm) =	ssettm $0x1  }
0x92: {  	s4 =	sld [smem:$0x3FFB];
	_ =	sdelay $0x3  }
0x93: {  	_ =	strace s4  }
0x94: {  	s4 =	sld [smem:$0x3FFC];
	_ =	sdelay $0x3  }
0x95: {  	_ =	strace s4  }
0x96: {  	s4 =	sld [smem:$0x3FFD];
	_ =	sdelay $0x3  }
0x97: {  	_ =	strace s4  }
0x98: {  	_ =	strace $0x8FFFFFFF  }
0x99: {  	s19 =	sld [smem:$0x3FDB];
	_ =	sdelay $0x1  }
0x9a: {  	s5 =	simm.s32 $_scs_section_size  }
0x9b: {  	s6 =	simm.s32 $_size__tile_overlayer_lowered;
	s7 =	simm.s32 $_tile_overlayer_lowered  }
0x9c: {  	s22 =	simm.s32 $0x1BFF;
	s21 =	sshll.u32 s7, $0x1;
	s4 =	sadd.s32 s5, s19  }
0x9d: {  	s8 =	simm.s32 $0x0;
	s20 =	sshll.u32 s6, $0x1;
	s6 =	sadd.s32 s21, s4  }
0x9e: {  	[timem:s8], [sflag:s22] =	dma.local [hbm:s6], s20  }
0x9f: {  	_ =	swait.ge [sflag:s22], s20  }
0xa0: {  	s5 =	ssub.s32 $0x0, s20;
	[sflag:s22] =	ssyncset.done $0x0  }
0xa1: {  	[sflag:s22] =	ssyncadd.s32 s5;
	_ =	sdelay $0x1  }
0xa2: {  	s23 =	simm.s32 $0x1B8B  }
0xa3: {  	_ =	swait.ge [sflag:s23], $0x1  }
0xa4: {  	[sflag:s23] =	ssyncset.done $0x0  }
0xa5: {  	s25 =	simm.s32 $0x1B8E;
	s24 =	sld [smem:$0x3FFE];
	[sflag:s23] =	ssyncadd.s32 $0xFFFFFFFF  }
0xa6: {  	s26 =	simm.s32 $execute0_lowered;
	[smem:$0x3FD2] =	sst s25  }
0xa7: {  	s6 =	sshll.u32 s26, $0x1;
	_ =	strace $0x80000046;
	[dreg:$0x1] =	wrdreg $0xFFFFFFFF  }
0xa8: {  	s28 =	simm.s32 $_size_execute0_lowered;
	s4 =	sadd.s32 s4, s6;
	[dreg:$0x0] =	wrdreg $0x0  }
0xa9: {  	s6 =	sshll.u32 s28, $0x1;
	[dreg:$0x2] =	wrdreg s4  }
0xaa: {  	[dreg:$0x3] =	wrdreg s6  }
0xab: {  	[dreg:$0x4] =	wrdreg $0xC0  }
0xac: {  	_ =	task [dreg:s8], $0x5FFFF  }
0xad: {  	[dreg:$0x1] =	wrdreg $0xFFFFFFFF  }
0xae: {  	[dreg:$0x0] =	wrdreg $0x60  }
0xaf: {  	[dreg:$0x2] =	wrdreg s2  }
0xb0: {  	[dreg:$0x3] =	wrdreg s18  }
0xb1: {  	[dreg:$0x4] =	wrdreg s24  }
0xb2: {  	[dreg:$0x5] =	wrdreg $0x9  }
0xb3: {  	_ =	task.clear_ibuf [dreg:s8], $0x6FFFF;
	_ =	strace $0x90000046  }
0xb4: {  	s29 =	simm.s32 $0x9;
	_ =	strace $0x80000048  }
0xb5: {  	_ =	swait.ge [sflag:s29], $0x1  }
0xb6: {  	[sflag:s29] =	ssyncadd.s32 $0xFFFFFFFF  }
0xb7: {  	_ =	strace $0x90000048  }
0xb8: {  	_ =	sfence  }
0xb9: {  	s30 =	sld [smem:$0x0];
	_ =	sdelay $0x2  }
0xba: {  	s31 =	sshll.u32 s1, $0xD;
	s1 =	sshrl.u32 s1, $0x2  }
0xbb: {  	s3 =	sand.u32 $0x4000, s31;
	s1 =	sadd.s32 s1, s30  }
0xbc: {  	s0 =	sor.u32 s3, s0;
	s1 =	sshll.u32 s1, $0x11  }
0xbd: {  	s0 =	sor.u32 s1, s0  }
0xbe: {  	s0 =	sadd.s32 $0x8F2B, s0  }
0xbf: {  	[sflag:s0] =	ssyncadd.remote.s32 $0x1  }
0xc0: {  	_ =	sfence.sel $0xFFFF  }
0xc1: {  	[dreg:$0x0] =	wrdreg $0xFFFFFFFF;
	(pc) =	sbr.abs _section_cstart, $3  }
0xc2: {  	[dreg:$0x1] =	wrdreg $0xFFFFFFFF  }
0xc3: {  	_ =	task.clear_ibuf [dreg:s8], $0x2FFFF;
	_ =	strace $0x9FFFFFFF  }
0xc4: {  	(tm) =	ssettm $0x7FFFFFFF  }
0xc5: {  	_ =	shalt  }
tec
execute0_lowered:
.L_overlay_start_1:
0x0: {  	(tag) =	ssettag $0x1  }
0x1: {  	s0 =	rddreg [dreg:$0x0]  }
0x2: {  	s2 =	rddreg [dreg:$0x1]  }
0x3: {  	s3 =	rddreg [dreg:$0x2]  }
0x4: {  	s1 =	simm.s32 $0x0;
	s4 =	srdreg.scid;
	s11 =	stileid.u32  }
0x5: {  	s28 =	simm.s32 $0x4C00;
	s29 =	simm.s32 $0x1;
	s30 =	simm.s32 $0x5000  }
0x6: {  	s31 =	simm.s32 $0x2;
	[smem:$0x7FF] =	sst s1;
	s4 =	sand.u32 $0x1, s4  }
0x7: {  	s8 =	sshll.u32 s11, $0x8;
	s25 =	sshll.u32 s11, $0x5;
	_ =	strace $0x80000047  }
0x8: {  	s5 =	sshll.u32 s4, $0x4;
	s6 =	ssub.s32 $0x2, s4;
	s4 =	sshll.u32 s4, $0xC  }
0x9: {  	s7 =	sshrl.u32 s6, $0x1;
	s9 =	sadd.s32 s5, s3;
	s4 =	sor.u32 s8, s4  }
0xa: {  	s10 =	ssub.s32 s6, s7;
	s3 =	sadd.s32 s0, s4;
	s24 =	sor.u32 $0x80, s4  }
0xb: {  	s4 =	sadd.s32 s2, s4;
	s26 =	sadd.s32 s25, s9;
	s5 =	sadd.s32 s0, s24  }
0xc: {  	s6 =	sadd.s32 s2, s24;
	s7 =	sadd.s32 $0x200, s26;
	s8 =	smax.u32 s10, $0x1  }
0xd: {  	s9 =	sadd.s32 $0x2000, s3;
	s10 =	sadd.s32 $0x4000, s3;
	s11 =	sadd.s32 $0x6000, s3  }
0xe: {  	s12 =	sadd.s32 $0x8000, s3;
	s13 =	sadd.s32 $0x2000, s4;
	s14 =	sadd.s32 $0x4000, s4  }
0xf: {  	s15 =	sadd.s32 $0x6000, s4;
	s16 =	sadd.s32 $0x8000, s4;
	s26 =	simm.s32 $0x4400  }
0x10: {  	s0 =	simm.s32 $0x0;
	s17 =	sadd.s32 $0x2000, s5;
	s18 =	sadd.s32 $0x4000, s5  }
0x11: {  	v0 =	vimm.f32 $0.0e+00;
	v1 =	vimm.f32 $7.500000000e-01;
	s19 =	sadd.s32 $0x6000, s5;
	s20 =	sadd.s32 $0x8000, s5;
	s21 =	sadd.s32 $0x2000, s6  }
0x12: {  	vm0 =	vcmask $0xB08;
	vm1 =	vcmask $0x3F08;
	vm2 =	vcmask $0x3F04;
	s22 =	sadd.s32 $0x4000, s6;
	s23 =	sadd.s32 $0x6000, s6;
	s24 =	sadd.s32 $0x8000, s6  }
.LBB2_1:
0x13: {  	[tilespmem:s1], [sflag:$0x1] =	stream.linear.gather [hbm4b:s3+s1], $0x400, $0x38;
	[tilespmem:$0x5080] =	vst v63  }
0x14: {  	s2 =	simm.s32 $0x800  }
0x15: {  	[tilespmem:s2], [sflag:$0x1] =	stream.linear.gather [hbm4b:s9+s1], $0x400, $0x38;
	[tilespmem:$0x5080] =	vst v63  }
0x16: {  	s25 =	simm.s32 $0x1000  }
0x17: {  	[tilespmem:s25], [sflag:$0x1] =	stream.linear.gather [hbm4b:s10+s1], $0x400, $0x38;
	[tilespmem:$0x5080] =	vst v63  }
0x18: {  	s25 =	simm.s32 $0x1800  }
0x19: {  	[tilespmem:s25], [sflag:$0x1] =	stream.linear.gather [hbm4b:s11+s1], $0x400, $0x38;
	[tilespmem:$0x5080] =	vst v63  }
0x1a: {  	s25 =	simm.s32 $0x2000  }
0x1b: {  	[tilespmem:s25], [sflag:$0x1] =	stream.linear.gather [hbm4b:s12+s1], $0x400, $0x38;
	[tilespmem:$0x5080] =	vst v63  }
0x1c: {  	s25 =	simm.s32 $0x2800  }
0x1d: {  	[tilespmem:s25], [sflag:$0x1] =	stream.linear.gather [hbm4b:s4+s1], $0x400, $0x38;
	[tilespmem:$0x5080] =	vst v63  }
0x1e: {  	s25 =	simm.s32 $0x3000  }
0x1f: {  	[tilespmem:s25], [sflag:$0x1] =	stream.linear.gather [hbm4b:s13+s1], $0x400, $0x38;
	[tilespmem:$0x5080] =	vst v63  }
0x20: {  	s25 =	simm.s32 $0x3800  }
0x21: {  	[tilespmem:s25], [sflag:$0x1] =	stream.linear.gather [hbm4b:s14+s1], $0x400, $0x38;
	[tilespmem:$0x5080] =	vst v63  }
0x22: {  	s25 =	simm.s32 $0x4000  }
0x23: {  	[tilespmem:s25], [sflag:$0x1] =	stream.linear.gather [hbm4b:s15+s1], $0x400, $0x38;
	[tilespmem:$0x5080] =	vst v63  }
0x24: {  	s25 =	simm.s32 $0x4800  }
0x25: {  	[tilespmem:s25], [sflag:$0x1] =	stream.linear.gather [hbm4b:s16+s1], $0x400, $0x38;
	[tilespmem:$0x5080] =	vst v63  }
0x26: {  	s25 =	simm.s32 $0x400  }
0x27: {  	[tilespmem:s25], [sflag:$0x1] =	stream.linear.gather [hbm4b:s5+s1], $0x400, $0x38;
	[tilespmem:$0x5080] =	vst v63  }
0x28: {  	s25 =	simm.s32 $0xC00  }
0x29: {  	[tilespmem:s25], [sflag:$0x1] =	stream.linear.gather [hbm4b:s17+s1], $0x400, $0x38;
	[tilespmem:$0x5080] =	vst v63  }
0x2a: {  	s25 =	simm.s32 $0x1400  }
0x2b: {  	[tilespmem:s25], [sflag:$0x1] =	stream.linear.gather [hbm4b:s18+s1], $0x400, $0x38;
	[tilespmem:$0x5080] =	vst v63  }
0x2c: {  	s25 =	simm.s32 $0x1C00  }
0x2d: {  	[tilespmem:s25], [sflag:$0x1] =	stream.linear.gather [hbm4b:s19+s1], $0x400, $0x38;
	[tilespmem:$0x5080] =	vst v63  }
0x2e: {  	s25 =	simm.s32 $0x2400  }
0x2f: {  	[tilespmem:s25], [sflag:$0x1] =	stream.linear.gather [hbm4b:s20+s1], $0x400, $0x38;
	[tilespmem:$0x5080] =	vst v63  }
0x30: {  	s25 =	simm.s32 $0x2C00  }
0x31: {  	[tilespmem:s25], [sflag:$0x1] =	stream.linear.gather [hbm4b:s6+s1], $0x400, $0x38;
	[tilespmem:$0x5080] =	vst v63  }
0x32: {  	s25 =	simm.s32 $0x3400  }
0x33: {  	[tilespmem:s25], [sflag:$0x1] =	stream.linear.gather [hbm4b:s21+s1], $0x400, $0x38;
	[tilespmem:$0x5080] =	vst v63  }
0x34: {  	s25 =	simm.s32 $0x3C00  }
0x35: {  	[tilespmem:s25], [sflag:$0x1] =	stream.linear.gather [hbm4b:s22+s1], $0x400, $0x38;
	[tilespmem:$0x5080] =	vst v63  }
0x36: {  	_ = 	snop  }
0x37: {  	[tilespmem:s26], [sflag:$0x1] =	stream.linear.gather [hbm4b:s23+s1], $0x400, $0x38;
	[tilespmem:$0x5080] =	vst v63  }
0x38: {  	_ = 	snop  }
0x39: {  	[tilespmem:s28], [sflag:$0x1] =	stream.linear.gather [hbm4b:s24+s1], $0x400, $0x38;
	[tilespmem:$0x5080] =	vst v63  }
0x3a: {  	_ =	swait.ge [sflag:s29], $0x1400  }
0x3b: {  	[sflag:s29] =	ssyncset.done $0x0  }
0x3c: {  	[sflag:s29] =	ssyncadd.s32 $0xFFFFEC00  }
0x3d: {  	_ =	swait.ge [sflag:s29], $0x1400  }
0x3e: {  	[sflag:s29] =	ssyncset.done $0x0  }
0x3f: {  	s25 =	simm.s32 $0x0;
	[sflag:s29] =	ssyncadd.s32 $0xFFFFEC00  }
0x40: {  	v2 =	vld [tilespmem:s25+$0x1800]  }
0x41: {  	v3 =	vld [tilespmem:s25+$0x4000]  }
0x42: {  	v4 =	vld [tilespmem:s25+$0x4800]  }
0x43: {  	v5 =	vld [tilespmem:s25+$0x1000]  }
0x44: {  	v6 =	vld [tilespmem:s25+$0x800]  }
0x45: {  	v7 =	vld [tilespmem:s25+$0x2000]  }
0x46: {  	v8 =	vld [tilespmem:s25+$0x3800]  }
0x47: {  	v9 =	vld [tilespmem:s25+$0x3000];
	_ =	sdelay $0x1  }
0x48: {  	v10 =	vld [tilespmem:s25+$0x0]  }
0x49: {  	v11 =	vld [tilespmem:s25+$0x2800]  }
0x4a: {  	v12 =	vadd.f32 v2, v6;
	v13 =	vadd.f32 v7, v5  }
0x4b: {  	v2 =	vmin.f32 v2, v3;
	v14 =	vadd.f32 v4, v8;
	v3 =	vadd.f32 v3, v9  }
0x4c: {  	v4 =	vmin.f32 v7, v4;
	v5 =	vmin.f32 v5, v8;
	v6 =	vmin.f32 v6, v9  }
0x4d: {  	v4 =	vadd.f32 v4, v5;
	v2 =	vadd.f32 v2, v6;
	v3 =	vmul.f32 v14, v3  }
0x4e: {  	vm3 =	veq.f32 v10, $1.000000000e+00;
	v6 =	vsub.f32 $0.0e+00, v11;
	v5 =	vmul.f32 v13, v12  }
0x4f: {  	v4 =	vmax.f32 v4, $0.0e+00;
	v2 =	vmax.f32 v2, $0.0e+00;
	v3 =	vmax.f32 v3, $0.0e+00  }
0x50: {  	v6 =	vsel vm3, v11, v6;
	v2 =	vmul.f32 v4, v2;
	v3 =	vadd.f32 v3, v5  }
0x51: {  	v4 =	vsub.f32 $0.0e+00, v6  }
0x52: {  	v3 =	vsub.f32 v3, v2  }
0x53: {  	v4 =	vmul.f32 $1.442695020e+00, v4  }
0x54: {  	v3 =	vadd.f32 $1.000000010e-07, v3  }
0x55: {  	(erf) = vpow2.f32 v4  }
0x56: {  	(erf) = vrcp.f32 v3  }
0x57: {  	s25 =	simm.s32 $0x10  }
0x58: {  	v9 =	vld [tilespmem:s25+$0x2000]  }
0x59: {  	v12 =	vld [tilespmem:s25+$0x3000]  }
0x5a: {  	v13 =	vld [tilespmem:s25+$0x0]  }
0x5b: {  	v11 =	vld [tilespmem:s25+$0x3800]  }
0x5c: {  	v6 =	vld [tilespmem:s25+$0x1000]  }
0x5d: {  	v5 =	vld [tilespmem:s25+$0x4800]  }
0x5e: {  	v4 =	vld [tilespmem:s25+$0x4000];
	v8 =	vpop (erf)  }
0x5f: {  	v3 =	vld [tilespmem:s25+$0x1800];
	v10 =	vpop (erf)  }
0x60: {  	v8 =	vadd.f32 $1.000000000e+00, v8;
	v2 =	vmul.f32 v10, v2;
	v10 =	vld [tilespmem:s25+$0x2800]  }
0x61: {  	v7 =	vld [tilespmem:s25+$0x800]  }
0x62: {  	(erf) = vrcp.f32 v8  }
0x63: {  	vm5 =	veq.f32 v13, $1.000000000e+00;
	v15 =	vadd.f32 v9, v6  }
0x64: {  	v6 =	vmin.f32 v6, v11;
	v9 =	vmin.f32 v9, v5;
	v5 =	vadd.f32 v5, v11  }
0x65: {  	v8 =	vmin.f32 v3, v4;
	v4 =	vadd.f32 v4, v12;
	v11 =	vsub.f32 $0.0e+00, v10  }
0x66: {  	v6 =	vadd.f32 v9, v6;
	v3 =	vadd.f32 v3, v7;
	v7 =	vmin.f32 v7, v12  }
0x67: {  	v7 =	vadd.f32 v8, v7;
	v4 =	vmul.f32 v5, v4;
	v5 =	vsel vm5, v10, v11  }
0x68: {  	v6 =	vmax.f32 v6, $0.0e+00;
	v2 =	vadd.f32 $1.000000010e-07, v2;
	v5 =	vsub.f32 $0.0e+00, v5  }
0x69: {  	v3 =	vmul.f32 v15, v3;
	v7 =	vmax.f32 v7, $0.0e+00  }
0x6a: {  	v4 =	vmax.f32 v4, $0.0e+00;
	v14 =	vand.u32 $0x7FFFFF, v2;
	v5 =	vmul.f32 $1.442695020e+00, v5  }
0x6b: {  	v7 =	vmul.f32 v6, v7;
	v4 =	vadd.f32 v4, v3;
	v8 =	vor.u32 $0x3F800000, v14;
	v6 =	vpop (erf)  }
0x6c: {  	s25 =	simm.s32 $0x20;
	v3 =	vadd.f32 $-1.000000000e+00, v8;
	v8 =	vadd.f32 $1.000000010e-07, v6;
	(erf) = vpow2.f32 v5  }
0x6d: {  	v12 =	vld [tilespmem:s25+$0x1800];
	v4 =	vsub.f32 v4, v7  }
0x6e: {  	v13 =	vld [tilespmem:s25+$0x4000];
	v9 =	vand.u32 $0x7FFFFF, v8;
	v5 =	vmul.f32 $3.752624150e-03, v3  }
0x6f: {  	v15 =	vld [tilespmem:s25+$0x1000];
	v10 =	vadd.f32 $1.000000010e-07, v4;
	v4 =	vor.u32 $0x3F800000, v9  }
0x70: {  	v19 =	vld [tilespmem:s25+$0x2000];
	v4 =	vadd.f32 $-1.000000000e+00, v4;
	v5 =	vadd.f32 $-2.303827930e-02, v5  }
0x71: {  	(erf) = vrcp.f32 v10  }
0x72: {  	v14 =	vld [tilespmem:s25+$0x4800];
	v9 =	vmul.f32 $3.752624150e-03, v4;
	v5 =	vmul.f32 v5, v3;
	_ =	sdelay $0x1  }
0x73: {  	v16 =	vsel vm5, $0x3F800000, v0;
	v9 =	vadd.f32 $-2.303827930e-02, v9;
	v5 =	vadd.f32 $6.651248040e-02, v5  }
0x74: {  	v21 =	vmin.f32 v12, v13;
	v24 =	vadd.f32 v19, v15;
	v10 =	vsel vm3, $0x3F800000, v0;
	v11 =	vpop (erf)  }
0x75: {  	v9 =	vmul.f32 v9, v4;
	v5 =	vmul.f32 v5, v3;
	v11 =	vadd.f32 $1.000000000e+00, v11  }
0x76: {  	v6 =	vsub.f32 $1.000000000e+00, v6;
	v19 =	vmin.f32 v19, v14;
	v10 =	vadd.f32 v10, v0  }
0x77: {  	v18 =	vld [tilespmem:s25+$0x800];
	v17 =	vadd.f32 $6.651248040e-02, v9;
	v5 =	vadd.f32 $-1.252666120e-01, v5;
	(erf) = vrcp.f32 v11  }
0x78: {  	v6 =	vmul.f32 v6, v6;
	v9 =	vshrl.u32 v2, $0x17;
	v2 =	vadd.f32 v16, v10;
	v16 =	vld [tilespmem:s25+$0x3800]  }
0x79: {  	v8 =	vshrl.u32 v8, $0x17;
	v10 =	vmul.f32 v17, v4;
	v17 =	vld [tilespmem:s25+$0x0];
	v5 =	vmul.f32 v5, v3;
	v11 =	vpop (erf)  }
0x7a: {  	v8 =	vadd.s32 $0xFFFFFF81, v8;
	vm3 =	vmmov vm3;
	v7 =	vmul.f32 v11, v7  }
0x7b: {  	v23 =	vld [tilespmem:s25+$0x2800];
	v8 =	vcvt.s32.f32 v8;
	vm4 =	vmmov vm3;
	v5 =	vadd.f32 $1.846884790e-01, v5  }
0x7c: {  	vm3 =	vmmov vm5;
	v22 =	vadd.f32 $1.000000010e-07, v7;
	v7 =	vadd.f32 $-1.252666120e-01, v10;
	v10 =	vld [tilespmem:s25+$0x3000]  }
0x7d: {  	v14 =	vadd.f32 v14, v16;
	v20 =	vmul.f32 v5, v3;
	v5 =	vadd.f32 v12, v18  }
0x7e: {  	v15 =	vmin.f32 v15, v16;
	vm5 =	veq.f32 v17, $1.000000000e+00;
	v7 =	vmul.f32 v7, v4  }
0x7f: {  	v16 =	vmul.f32 v24, v5;
	v5 =	vadd.f32 v19, v15;
	v12 =	vand.u32 $0x7FFFFF, v22  }
0x80: {  	v15 =	vsub.f32 $0.0e+00, v23;
	v12 =	vor.u32 $0x3F800000, v12;
	v7 =	vadd.f32 $1.846884790e-01, v7;
	v17 =	vpop (erf)  }
0x81: {  	v13 =	vadd.f32 v13, v10;
	v19 =	vadd.f32 $1.000000010e-07, v17;
	v10 =	vmin.f32 v18, v10  }
0x82: {  	v18 =	vmax.f32 v5, $0.0e+00;
	v5 =	vadd.f32 $-1.000000000e+00, v12;
	v12 =	vsel vm5, v23, v15  }
0x83: {  	v10 =	vadd.f32 v21, v10;
	v7 =	vmul.f32 v7, v4;
	v12 =	vsub.f32 $0.0e+00, v12  }
0x84: {  	v13 =	vmul.f32 v14, v13;
	v14 =	vadd.f32 $-2.463566060e-01, v20;
	v20 =	vmul.f32 $3.752624150e-03, v5  }
0x85: {  	v10 =	vmax.f32 v10, $0.0e+00;
	v12 =	vmul.f32 $1.442695020e+00, v12;
	v7 =	vadd.f32 $-2.463566060e-01, v7  }
0x86: {  	v13 =	vmax.f32 v13, $0.0e+00;
	v15 =	vmul.f32 v18, v10;
	v10 =	vmul.f32 v14, v3  }
0x87: {  	v11 =	vsel vm4, $0x3E800000, v1;
	v14 =	vadd.f32 $-2.303827930e-02, v20;
	v13 =	vadd.f32 v13, v16  }
0x88: {  	v16 =	vand.u32 $0x7FFFFF, v19;
	(erf) = vpow2.f32 v12;
	v10 =	vadd.f32 $3.328184190e-01, v10  }
0x89: {  	v12 =	vor.u32 $0x3F800000, v16;
	v14 =	vmul.f32 v14, v5;
	v13 =	vsub.f32 v13, v15  }
0x8a: {  	v17 =	vsub.f32 $1.000000000e+00, v17;
	v18 =	vmul.f32 v10, v3;
	v10 =	vadd.f32 $-1.000000000e+00, v12  }
0x8b: {  	v7 =	vmul.f32 v7, v4;
	v12 =	vadd.f32 $6.651248040e-02, v14;
	v13 =	vadd.f32 $1.000000010e-07, v13  }
0x8c: {  	v16 =	vshrl.u32 v19, $0x17;
	v14 =	vadd.f32 $-4.999622400e-01, v18;
	v18 =	vmul.f32 $3.752624150e-03, v10  }
0x8d: {  	v16 =	vadd.s32 $0xFFFFFF81, v16;
	v12 =	vmul.f32 v12, v5;
	(erf) = vrcp.f32 v13  }
0x8e: {  	v13 =	vadd.f32 $3.328184190e-01, v7;
	v7 =	vsel vm5, $0x3F800000, v0;
	v20 =	vmul.f32 v14, v3  }
0x8f: {  	v19 =	vadd.f32 $-2.303827930e-02, v18;
	v14 =	vshrl.u32 v22, $0x17;
	v18 =	vadd.f32 $-1.252666120e-01, v12  }
0x90: {  	s2 =	simm.s32 $0xC0;
	v12 =	vimm.f32 $0.0e+00;
	v21 =	vmul.f32 v13, v4;
	v13 =	vimm.f32 $0.0e+00  }
.LBB2_2:
0x91: {  	v2 =	vadd.f32 v7, v2;
	v7 =	vmul.f32 v17, v17;
	v16 =	vcvt.s32.f32 v16  }
0x92: {  	s25 =	sshra.s32 s2, $0x2;
	p0 =	sne.s32 s2, $0xFC0;
	s2 =	sadd.s32 $0x40, s2;
	vm6 =	vmmov vm4;
	vm4 =	vmmov vm3;
	vm3 =	vmmov vm5  }
0x93: {  	v21 =	vadd.f32 $-4.999622400e-01, v21;
	v17 =	vld [tilespmem:s25+$0x1800];
	v22 =	vpop (erf);
	v19 =	vmul.f32 v19, v10;
	v18 =	vmul.f32 v18, v5  }
0x94: {  	v24 =	vmul.f32 v6, v11;
	v26 =	vadd.f32 $9.999989270e-01, v20;
	v23 =	vld [tilespmem:s25+$0x4000];
	v22 =	vadd.f32 $1.000000000e+00, v22;
	v6 =	vmovc v7  }
0x95: {  	v20 =	vmul.f32 v21, v4;
	v7 =	vld [tilespmem:s25+$0x4800];
	v19 =	vadd.f32 $6.651248040e-02, v19;
	v18 =	vadd.f32 $1.846884790e-01, v18  }
0x96: {  	v25 =	vmul.f32 v26, v3;
	v3 =	vmovc v5;
	v21 =	vld [tilespmem:s25+$0x1000];
	(erf) = vrcp.f32 v22;
	v22 =	vadd.s32 $0xFFFFFF81, v9;
	v9 =	vmovc v14  }
0x97: {  	v5 =	vld [tilespmem:s25+$0x800];
	v11 =	vpop (erf);
	v14 =	vmul.f32 v19, v10;
	v19 =	vadd.f32 $9.999989270e-01, v20;
	v20 =	vcvt.s32.f32 v22  }
0x98: {  	v18 =	vmul.f32 v18, v3;
	v22 =	vld [tilespmem:s25+$0x2000];
	v15 =	vmul.f32 v11, v15;
	v11 =	vsel vm4, $0x3E800000, v1  }
0x99: {  	v25 =	vadd.f32 $5.239402690e-09, v25;
	v26 =	vld [tilespmem:s25+$0x3800];
	v19 =	vmul.f32 v19, v4;
	v20 =	vmul.f32 $6.931471820e-01, v20;
	v4 =	vmovc v10  }
0x9a: {  	v27 =	vmin.f32 v17, v23;
	v14 =	vadd.f32 $-1.252666120e-01, v14;
	v10 =	vld [tilespmem:s25+$0x0];
	v28 =	vadd.f32 $1.000000010e-07, v15  }
0x9b: {  	v29 =	vmul.f32 $6.931471820e-01, v8;
	v8 =	vmovc v16;
	v15 =	vld [tilespmem:s25+$0x2800];
	v19 =	vadd.f32 $5.239402690e-09, v19;
	v20 =	vadd.f32 v25, v20  }
0x9c: {  	v14 =	vmul.f32 v14, v4;
	v16 =	vld [tilespmem:s25+$0x3000];
	v31 =	vadd.f32 v17, v5;
	v25 =	vand.u32 $0x7FFFFF, v28  }
0x9d: {  	v30 =	vadd.f32 v22, v21;
	v22 =	vmin.f32 v22, v7;
	v19 =	vadd.f32 v19, v29  }
0x9e: {  	v20 =	vnsel vm6, $0x0, v20;
	v7 =	vadd.f32 v7, v26;
	v21 =	vmin.f32 v21, v26  }
0x9f: {  	v14 =	vadd.f32 $1.846884790e-01, v14;
	vm5 =	veq.f32 v10, $1.000000000e+00;
	v10 =	vmul.f32 v30, v31;
	v17 =	vpop (erf)  }
0xa0: {  	v25 =	vor.u32 $0x3F800000, v25;
	v21 =	vadd.f32 v22, v21;
	v22 =	vadd.f32 $1.000000010e-07, v17  }
0xa1: {  	v12 =	vadd.f32 v20, v12;
	v23 =	vadd.f32 v23, v16;
	v16 =	vmin.f32 v5, v16  }
0xa2: {  	v18 =	vadd.f32 $-2.463566060e-01, v18;
	v20 =	vsub.f32 $0.0e+00, v15;
	v21 =	vmax.f32 v21, $0.0e+00  }
0xa3: {  	v14 =	vmul.f32 v14, v4;
	v5 =	vadd.f32 $-1.000000000e+00, v25;
	v7 =	vmul.f32 v7, v23  }
0xa4: {  	v18 =	vmul.f32 v18, v3;
	v15 =	vsel vm5, v15, v20;
	v16 =	vadd.f32 v27, v16  }
0xa5: {  	v19 =	vmul.f32 v19, v24;
	v15 =	vsub.f32 $0.0e+00, v15;
	v7 =	vmax.f32 v7, $0.0e+00  }
0xa6: {  	v16 =	vmax.f32 v16, $0.0e+00;
	v7 =	vadd.f32 v7, v10;
	v10 =	vmul.f32 $3.752624150e-03, v5  }
0xa7: {  	v14 =	vadd.f32 $-2.463566060e-01, v14;
	v20 =	vmul.f32 $1.442695020e+00, v15;
	v15 =	vmul.f32 v21, v16  }
0xa8: {  	v13 =	vadd.f32 v19, v13;
	v16 =	vand.u32 $0x7FFFFF, v22;
	v10 =	vadd.f32 $-2.303827930e-02, v10  }
0xa9: {  	v18 =	vadd.f32 $3.328184190e-01, v18;
	v7 =	vsub.f32 v7, v15;
	(erf) = vpow2.f32 v20  }
0xaa: {  	v14 =	vmul.f32 v14, v4;
	v19 =	vor.u32 $0x3F800000, v16;
	v20 =	vmul.f32 v10, v5  }
0xab: {  	v18 =	vmul.f32 v18, v3;
	v7 =	vadd.f32 $1.000000010e-07, v7;
	v10 =	vshrl.u32 v22, $0x17  }
.Ltmp0:
0xac: {  	v16 =	vadd.s32 $0xFFFFFF81, v10;
	v10 =	vadd.f32 $-1.000000000e+00, v19;
	v19 =	vadd.f32 $6.651248040e-02, v20;
	(pc) =	sbr.rel @p0 .LBB2_2-.Ltmp0, $4  }
0xad: {  	v18 =	vadd.f32 $-4.999622400e-01, v18;
	v14 =	vadd.f32 $3.328184190e-01, v14;
	(erf) = vrcp.f32 v7  }
0xae: {  	v17 =	vsub.f32 $1.000000000e+00, v17;
	v22 =	vmul.f32 $3.752624150e-03, v10;
	v23 =	vmul.f32 v19, v5  }
0xaf: {  	v21 =	vmul.f32 v14, v4;
	v20 =	vmul.f32 v18, v3;
	v7 =	vsel vm5, $0x3F800000, v0  }
0xb0: {  	v14 =	vshrl.u32 v28, $0x17;
	v19 =	vadd.f32 $-2.303827930e-02, v22;
	v18 =	vadd.f32 $-1.252666120e-01, v23  }
0xb1: {  	_ = 	snop  }
0xb2: {  	v22 =	vpop (erf)  }
0xb3: {  	v22 =	vadd.f32 $1.000000000e+00, v22;
	_ =	sdelay $0x1  }
0xb4: {  	(erf) = vrcp.f32 v22;
	_ =	sdelay $0x7  }
0xb5: {  	v22 =	vpop (erf)  }
0xb6: {  	v21 =	vadd.f32 $-4.999622400e-01, v21;
	v19 =	vmul.f32 v19, v10;
	v23 =	vpop (erf)  }
0xb7: {  	v20 =	vadd.f32 $9.999989270e-01, v20;
	v9 =	vadd.s32 $0xFFFFFF81, v9;
	_ =	swait.ge [sflag:s29], $0x1400  }
0xb8: {  	v9 =	vcvt.s32.f32 v9;
	v19 =	vadd.f32 $6.651248040e-02, v19;
	[sflag:s29] =	ssyncset.done $0x0  }
0xb9: {  	v21 =	vmul.f32 v21, v4;
	v3 =	vmul.f32 v20, v3;
	[sflag:s29] =	ssyncadd.s32 $0xFFFFEC00  }
0xba: {  	v6 =	vmul.f32 v6, v11;
	v11 =	vmul.f32 v19, v10;
	_ =	swait.ge [sflag:s29], $0x1400  }
0xbb: {  	v9 =	vmul.f32 $6.931471820e-01, v9;
	v21 =	vadd.f32 $9.999989270e-01, v21;
	v3 =	vadd.f32 $5.239402690e-09, v3;
	[sflag:s29] =	ssyncset.done $0x0  }
0xbc: {  	s2 =	simm.s32 $0x0;
	v8 =	vmul.f32 $6.931471820e-01, v8;
	v18 =	vmul.f32 v18, v5;
	v11 =	vadd.f32 $-1.252666120e-01, v11;
	[sflag:s29] =	ssyncadd.s32 $0xFFFFEC00  }
0xbd: {  	vm4 =	vmmov vm4;
	v4 =	vmul.f32 v21, v4;
	v3 =	vadd.f32 v3, v9;
	v20 =	vld [tilespmem:s2+$0x1C00]  }
0xbe: {  	v9 =	vadd.f32 $1.846884790e-01, v18;
	v15 =	vmul.f32 v22, v15;
	v11 =	vmul.f32 v11, v10;
	v21 =	vld [tilespmem:s2+$0x4C00]  }
0xbf: {  	v17 =	vmul.f32 v17, v17;
	v16 =	vcvt.s32.f32 v16;
	v4 =	vadd.f32 $5.239402690e-09, v4;
	v22 =	vld [tilespmem:s2+$0x1400]  }
0xc0: {  	v9 =	vmul.f32 v9, v5;
	v15 =	vadd.f32 $1.000000010e-07, v15;
	v11 =	vadd.f32 $1.846884790e-01, v11;
	v24 =	vld [tilespmem:s2+$0xC00]  }
0xc1: {  	vm6 =	vmmov vm3;
	v3 =	vnsel vm4, $0x0, v3;
	v4 =	vadd.f32 v4, v8;
	v25 =	vld [tilespmem:s2+$0x2400]  }
0xc2: {  	v9 =	vadd.f32 $-2.463566060e-01, v9;
	v18 =	vand.u32 $0x7FFFFF, v15;
	v11 =	vmul.f32 v11, v10;
	v8 =	vld [tilespmem:s2+$0x3C00]  }
0xc3: {  	v12 =	vadd.f32 v3, v12;
	v4 =	vmul.f32 v4, v6;
	v18 =	vor.u32 $0x3F800000, v18;
	v6 =	vld [tilespmem:s2+$0x400]  }
0xc4: {  	v9 =	vmul.f32 v9, v5;
	v18 =	vadd.f32 $-1.000000000e+00, v18;
	v11 =	vadd.f32 $-2.463566060e-01, v11  }
0xc5: {  	vm3 =	vmmov vm5;
	v19 =	vadd.f32 $1.000000010e-07, v23;
	v3 =	vadd.f32 v4, v13  }
0xc6: {  	v9 =	vadd.f32 $3.328184190e-01, v9;
	v11 =	vmul.f32 v11, v10;
	v4 =	vld [tilespmem:s2+$0x4400];
	v13 =	vadd.f32 v25, v22  }
0xc7: {  	v26 =	vld [tilespmem:s2+$0x3400];
	v25 =	vmin.f32 v25, v21;
	v21 =	vadd.f32 v21, v8;
	v8 =	vmin.f32 v22, v8  }
0xc8: {  	v22 =	vadd.f32 v20, v24;
	vm4 =	veq.f32 v6, $1.000000000e+00;
	v6 =	vand.u32 $0x7FFFFF, v19  }
0xc9: {  	v9 =	vmul.f32 v9, v5;
	v11 =	vadd.f32 $3.328184190e-01, v11;
	v6 =	vor.u32 $0x3F800000, v6  }
0xca: {  	v14 =	vadd.s32 $0xFFFFFF81, v14;
	v13 =	vmul.f32 v13, v22;
	v22 =	vld [tilespmem:s2+$0x2C00];
	v6 =	vadd.f32 $-1.000000000e+00, v6  }
0xcb: {  	v54 =	vmul.f32 $3.752624150e-03, v18;
	v9 =	vadd.f32 $-4.999622400e-01, v9;
	v11 =	vmul.f32 v11, v10  }
0xcc: {  	v20 =	vmin.f32 v20, v4;
	v4 =	vadd.f32 v4, v26;
	v55 =	vmul.f32 $3.752624150e-03, v6  }
0xcd: {  	v9 =	vmul.f32 v9, v5;
	v8 =	vadd.f32 v25, v8;
	v25 =	vadd.f32 $-2.303827930e-02, v54  }
0xce: {  	v11 =	vadd.f32 $-4.999622400e-01, v11;
	v24 =	vmin.f32 v24, v26;
	v26 =	vadd.f32 $-2.303827930e-02, v55  }
0xcf: {  	v4 =	vmul.f32 v21, v4;
	v25 =	vmul.f32 v25, v18;
	v21 =	vsub.f32 $0.0e+00, v22  }
0xd0: {  	v9 =	vadd.f32 $9.999989270e-01, v9;
	v11 =	vmul.f32 v11, v10;
	v56 =	vmul.f32 v26, v6  }
0xd1: {  	v20 =	vadd.f32 v20, v24;
	v21 =	vsel vm4, v22, v21;
	v22 =	vadd.f32 $6.651248040e-02, v25  }
0xd2: {  	v11 =	vadd.f32 $9.999989270e-01, v11;
	v8 =	vmax.f32 v8, $0.0e+00;
	v25 =	vadd.f32 $6.651248040e-02, v56  }
0xd3: {  	v20 =	vmax.f32 v20, $0.0e+00;
	v4 =	vmax.f32 v4, $0.0e+00;
	v22 =	vmul.f32 v22, v18  }
0xd4: {  	v8 =	vmul.f32 v8, v20;
	v4 =	vadd.f32 v4, v13;
	v25 =	vmul.f32 v25, v6  }
0xd5: {  	v16 =	vmul.f32 $6.931471820e-01, v16;
	v20 =	vsub.f32 $0.0e+00, v21;
	v22 =	vadd.f32 $-1.252666120e-01, v22  }
0xd6: {  	v19 =	vshrl.u32 v19, $0x17;
	v4 =	vsub.f32 v4, v8;
	v25 =	vadd.f32 $-1.252666120e-01, v25  }
0xd7: {  	v19 =	vadd.s32 $0xFFFFFF81, v19;
	v20 =	vmul.f32 $1.442695020e+00, v20;
	v22 =	vmul.f32 v22, v18  }
0xd8: {  	v10 =	vmul.f32 v11, v10;
	v4 =	vadd.f32 $1.000000010e-07, v4;
	v25 =	vmul.f32 v25, v6  }
0xd9: {  	v13 =	vcvt.s32.f32 v19;
	(erf) = vpow2.f32 v20;
	v22 =	vadd.f32 $1.846884790e-01, v22  }
0xda: {  	(erf) = vrcp.f32 v4;
	v4 =	vmul.f32 v9, v5;
	v25 =	vadd.f32 $1.846884790e-01, v25  }
0xdb: {  	v57 =	vsel vm6, $0x3E800000, v1;
	v5 =	vcvt.s32.f32 v14;
	v19 =	vmul.f32 v22, v18  }
0xdc: {  	v23 =	vsub.f32 $1.000000000e+00, v23;
	v10 =	vadd.f32 $5.239402690e-09, v10;
	v21 =	vmul.f32 v25, v6  }
0xdd: {  	v4 =	vadd.f32 $5.239402690e-09, v4;
	v5 =	vmul.f32 $6.931471820e-01, v5;
	v19 =	vadd.f32 $-2.463566060e-01, v19  }
0xde: {  	s25 =	simm.s32 $0x10;
	v17 =	vmul.f32 v17, v57;
	v23 =	vmul.f32 v23, v23;
	v21 =	vadd.f32 $-2.463566060e-01, v21  }
0xdf: {  	v58 =	vld [tilespmem:s25+$0x3C00];
	v10 =	vadd.f32 v10, v16;
	v4 =	vadd.f32 v4, v5;
	v19 =	vmul.f32 v19, v18  }
0xe0: {  	vm6 =	vmmov vm6;
	vm5 =	vmmov vm3;
	v16 =	vld [tilespmem:s25+$0x2400];
	v20 =	vmul.f32 v21, v6  }
0xe1: {  	v10 =	vmul.f32 v10, v17;
	v17 =	vld [tilespmem:s25+$0x400];
	v4 =	vnsel vm6, $0x0, v4;
	v9 =	vadd.f32 $3.328184190e-01, v19  }
0xe2: {  	v14 =	vld [tilespmem:s25+$0x1C00];
	v22 =	vsel vm5, $0x3E800000, v1;
	v4 =	vadd.f32 v4, v12;
	v12 =	vpop (erf);
	v11 =	vadd.f32 $3.328184190e-01, v20  }
0xe3: {  	v22 =	vmul.f32 v23, v22;
	v23 =	vpop (erf);
	v19 =	vld [tilespmem:s25+$0x4400];
	v9 =	vmul.f32 v9, v18  }
0xe4: {  	v8 =	vmul.f32 v23, v8;
	v23 =	vld [tilespmem:s25+$0x3400];
	v11 =	vmul.f32 v11, v6  }
0xe5: {  	v20 =	vld [tilespmem:s25+$0x4C00];
	v5 =	vadd.f32 $-4.999622400e-01, v9  }
0xe6: {  	v15 =	vshrl.u32 v15, $0x17;
	v9 =	vld [tilespmem:s25+$0xC00];
	v11 =	vadd.f32 $-4.999622400e-01, v11  }
0xe7: {  	v15 =	vadd.s32 $0xFFFFFF81, v15;
	v59 =	vld [tilespmem:s25+$0x2C00];
	v5 =	vmul.f32 v5, v18  }
0xe8: {  	v3 =	vadd.f32 v10, v3;
	v21 =	vld [tilespmem:s25+$0x1400];
	v12 =	vadd.f32 $1.000000000e+00, v12;
	v11 =	vmul.f32 v11, v6  }
0xe9: {  	v10 =	vcvt.s32.f32 v15;
	vm3 =	veq.f32 v17, $1.000000000e+00;
	v5 =	vadd.f32 $9.999989270e-01, v5  }
0xea: {  	(erf) = vrcp.f32 v12;
	v17 =	vadd.f32 v19, v23;
	v11 =	vadd.f32 $9.999989270e-01, v11  }
0xeb: {  	v15 =	vmin.f32 v16, v20;
	v12 =	vadd.f32 v14, v9;
	v5 =	vmul.f32 v5, v18  }
0xec: {  	v18 =	vsub.f32 $0.0e+00, v59;
	v6 =	vmul.f32 v11, v6;
	v11 =	vadd.f32 $1.000000010e-07, v8  }
0xed: {  	v8 =	vmin.f32 v14, v19;
	v14 =	vadd.f32 v16, v21;
	v16 =	vadd.f32 v20, v58  }
0xee: {  	v7 =	vadd.f32 v7, v2;
	v9 =	vmin.f32 v9, v23;
	v20 =	vmin.f32 v21, v58  }
0xef: {  	v15 =	vadd.f32 v15, v20;
	v18 =	vsel vm3, v59, v18;
	v16 =	vmul.f32 v16, v17  }
0xf0: {  	v13 =	vmul.f32 $6.931471820e-01, v13;
	v8 =	vadd.f32 v8, v9;
	v9 =	vsub.f32 $0.0e+00, v18  }
0xf1: {  	v12 =	vmul.f32 v14, v12;
	v14 =	vmax.f32 v15, $0.0e+00;
	v15 =	vmax.f32 v16, $0.0e+00  }
0xf2: {  	v17 =	vand.u32 $0x7FFFFF, v11;
	v8 =	vmax.f32 v8, $0.0e+00;
	v9 =	vmul.f32 $1.442695020e+00, v9  }
0xf3: {  	v16 =	vor.u32 $0x3F800000, v17;
	v14 =	vmul.f32 v14, v8;
	v12 =	vadd.f32 v15, v12  }
0xf4: {  	v8 =	vadd.f32 $5.239402690e-09, v5;
	v5 =	vadd.f32 $-1.000000000e+00, v16;
	(erf) = vpow2.f32 v9;
	v15 =	vpop (erf)  }
0xf5: {  	v9 =	vmul.f32 $6.931471820e-01, v10;
	v12 =	vsub.f32 v12, v14;
	v10 =	vadd.f32 $1.000000010e-07, v15  }
0xf6: {  	vm5 =	vmmov vm5;
	v6 =	vadd.f32 $5.239402690e-09, v6;
	v16 =	vmul.f32 $3.752624150e-03, v5  }
0xf7: {  	v8 =	vadd.f32 v8, v9;
	v12 =	vadd.f32 $1.000000010e-07, v12;
	v9 =	vand.u32 $0x7FFFFF, v10  }
0xf8: {  	s25 =	simm.s32 $0x20;
	v13 =	vadd.f32 v6, v13;
	v16 =	vadd.f32 $-2.303827930e-02, v16;
	v6 =	vor.u32 $0x3F800000, v9  }
0xf9: {  	v19 =	vsel vm3, $0x3F800000, v0;
	v21 =	vld [tilespmem:s25+$0x400];
	(erf) = vrcp.f32 v12;
	v6 =	vadd.f32 $-1.000000000e+00, v6  }
0xfa: {  	v8 =	vnsel vm5, $0x0, v8;
	v9 =	vmul.f32 v13, v22;
	v12 =	vmul.f32 v16, v5  }
0xfb: {  	vm3 =	vmmov vm3;
	v2 =	vadd.f32 v8, v4;
	v13 =	vld [tilespmem:s25+$0x4400];
	v8 =	vmul.f32 $3.752624150e-03, v6  }
0xfc: {  	v4 =	vadd.f32 v9, v3;
	v3 =	vsel vm4, $0x3F800000, v0;
	v9 =	vadd.f32 $6.651248040e-02, v12;
	v12 =	vld [tilespmem:s25+$0x1C00]  }
0xfd: {  	v20 =	vld [tilespmem:s25+$0xC00];
	v15 =	vsub.f32 $1.000000000e+00, v15;
	v10 =	vshrl.u32 v10, $0x17;
	v3 =	vadd.f32 v3, v7  }
0xfe: {  	v60 =	vld [tilespmem:s25+$0x2C00];
	vm5 =	veq.f32 v21, $1.000000000e+00;
	v10 =	vadd.s32 $0xFFFFFF81, v10;
	v9 =	vmul.f32 v9, v5  }
0xff: {  	v22 =	vld [tilespmem:s25+$0x3400];
	vm4 =	vmmov vm4;
	v7 =	vadd.f32 $-2.303827930e-02, v8;
	v3 =	vadd.f32 v19, v3;
	v8 =	vpop (erf)  }
0x100: {  	v18 =	vld [tilespmem:s25+$0x1400];
	vm4 =	vmmov vm4;
	v17 =	vadd.f32 $-1.252666120e-01, v9;
	v8 =	vadd.f32 $1.000000000e+00, v8  }
0x101: {  	v16 =	vld [tilespmem:s25+$0x4C00];
	v9 =	vcvt.s32.f32 v10;
	v7 =	vmul.f32 v7, v6;
	v23 =	vmin.f32 v12, v13  }
0x102: {  	v12 =	vadd.f32 v12, v20;
	v10 =	vmul.f32 v17, v5;
	v17 =	vld [tilespmem:s25+$0x2400];
	(erf) = vrcp.f32 v8  }
0x103: {  	v19 =	vld [tilespmem:s25+$0x3C00];
	v8 =	vmul.f32 v15, v15;
	v15 =	vadd.f32 $6.651248040e-02, v7;
	v7 =	vshrl.u32 v11, $0x17;
	v11 =	vpop (erf)  }
0x104: {  	v13 =	vadd.f32 v13, v22;
	v20 =	vmin.f32 v20, v22;
	v14 =	vmul.f32 v11, v14  }
0x105: {  	v22 =	vsub.f32 $0.0e+00, v60;
	v10 =	vadd.f32 $1.846884790e-01, v10;
	v15 =	vmul.f32 v15, v6  }
0x106: {  	v20 =	vadd.f32 v23, v20;
	v11 =	vsel vm4, $0x3E800000, v1;
	v14 =	vadd.f32 $1.000000010e-07, v14  }
0x107: {  	v10 =	vmul.f32 v10, v5;
	v62 =	vadd.f32 v17, v18;
	v15 =	vadd.f32 $-1.252666120e-01, v15  }
0x108: {  	v17 =	vmin.f32 v17, v16;
	v16 =	vadd.f32 v16, v19;
	v18 =	vmin.f32 v18, v19  }
0x109: {  	v17 =	vadd.f32 v17, v18;
	v63 =	vadd.f32 $-2.463566060e-01, v10;
	v15 =	vmul.f32 v15, v6  }
0x10a: {  	v61 =	vand.u32 $0x7FFFFF, v14;
	v12 =	vmul.f32 v62, v12;
	v13 =	vmul.f32 v16, v13  }
0x10b: {  	v16 =	vsel vm5, v60, v22;
	v21 =	vor.u32 $0x3F800000, v61;
	v15 =	vadd.f32 $1.846884790e-01, v15  }
0x10c: {  	v17 =	vmax.f32 v17, $0.0e+00;
	v22 =	vmul.f32 v63, v5;
	v10 =	vadd.f32 $-1.000000000e+00, v21  }
0x10d: {  	v13 =	vmax.f32 v13, $0.0e+00;
	v19 =	vpop (erf);
	v21 =	vmul.f32 v15, v6;
	v15 =	vsub.f32 $0.0e+00, v16  }
0x10e: {  	v18 =	vadd.f32 $1.000000010e-07, v19;
	v16 =	vmax.f32 v20, $0.0e+00;
	v20 =	vmul.f32 $3.752624150e-03, v10  }
0x10f: {  	v12 =	vadd.f32 v13, v12;
	v13 =	vmul.f32 $1.442695020e+00, v15;
	v15 =	vmul.f32 v17, v16  }
0x110: {  	v16 =	vadd.f32 $-2.463566060e-01, v21;
	v17 =	vand.u32 $0x7FFFFF, v18;
	v20 =	vadd.f32 $-2.303827930e-02, v20  }
0x111: {  	v12 =	vsub.f32 v12, v15;
	(erf) = vpow2.f32 v13;
	v13 =	vadd.f32 $3.328184190e-01, v22  }
0x112: {  	v17 =	vor.u32 $0x3F800000, v17;
	v20 =	vmul.f32 v20, v10;
	v21 =	vmul.f32 v16, v6  }
0x113: {  	v22 =	vadd.f32 $1.000000010e-07, v12;
	v12 =	vshrl.u32 v18, $0x17;
	v13 =	vmul.f32 v13, v5  }
0x114: {  	v18 =	vadd.f32 $6.651248040e-02, v20;
	v16 =	vadd.s32 $0xFFFFFF81, v12;
	v12 =	vadd.f32 $-1.000000000e+00, v17  }
0x115: {  	v14 =	vshrl.u32 v14, $0x17;
	v20 =	vadd.f32 $3.328184190e-01, v21;
	(erf) = vrcp.f32 v22  }
0x116: {  	v22 =	vadd.f32 $-4.999622400e-01, v13;
	v18 =	vmul.f32 v18, v10;
	v23 =	vmul.f32 $3.752624150e-03, v12  }
0x117: {  	v17 =	vsub.f32 $1.000000000e+00, v19;
	v13 =	vsel vm5, $0x3F800000, v0;
	v21 =	vmul.f32 v20, v6  }
0x118: {  	s2 =	simm.s32 $0xC0;
	v19 =	vmul.f32 v22, v5;
	v18 =	vadd.f32 $-1.252666120e-01, v18;
	v20 =	vadd.f32 $-2.303827930e-02, v23  }
.LBB2_4:
0x119: {  	v3 =	vadd.f32 v13, v3;
	v13 =	vmul.f32 v17, v17;
	v16 =	vcvt.s32.f32 v16  }
0x11a: {  	s25 =	sshra.s32 s2, $0x2;
	p0 =	sne.s32 s2, $0xFC0;
	s2 =	sadd.s32 $0x40, s2;
	vm6 =	vmmov vm4;
	vm4 =	vmmov vm3;
	vm3 =	vmmov vm5  }
0x11b: {  	v21 =	vadd.f32 $-4.999622400e-01, v21;
	v17 =	vld [tilespmem:s25+$0x1C00];
	v22 =	vpop (erf);
	v20 =	vmul.f32 v20, v12;
	v18 =	vmul.f32 v18, v10  }
0x11c: {  	v24 =	vmul.f32 v8, v11;
	v26 =	vadd.f32 $9.999989270e-01, v19;
	v23 =	vld [tilespmem:s25+$0x4400];
	v22 =	vadd.f32 $1.000000000e+00, v22;
	v8 =	vmovc v13  }
0x11d: {  	v13 =	vld [tilespmem:s25+$0x4C00];
	v19 =	vadd.f32 $6.651248040e-02, v20;
	v18 =	vadd.f32 $1.846884790e-01, v18;
	v20 =	vmul.f32 v21, v6  }
0x11e: {  	v25 =	vmul.f32 v26, v5;
	v5 =	vmovc v10;
	v21 =	vld [tilespmem:s25+$0x1400];
	(erf) = vrcp.f32 v22;
	v22 =	vadd.s32 $0xFFFFFF81, v7;
	v7 =	vmovc v14  }
0x11f: {  	v10 =	vld [tilespmem:s25+$0xC00];
	v11 =	vpop (erf);
	v14 =	vmul.f32 v19, v12;
	v19 =	vadd.f32 $9.999989270e-01, v20;
	v20 =	vcvt.s32.f32 v22  }
0x120: {  	v18 =	vmul.f32 v18, v5;
	v22 =	vld [tilespmem:s25+$0x2400];
	v15 =	vmul.f32 v11, v15;
	v11 =	vsel vm4, $0x3E800000, v1  }
0x121: {  	v25 =	vadd.f32 $5.239402690e-09, v25;
	v26 =	vld [tilespmem:s25+$0x3C00];
	v19 =	vmul.f32 v19, v6;
	v20 =	vmul.f32 $6.931471820e-01, v20;
	v6 =	vmovc v12  }
0x122: {  	v27 =	vmin.f32 v17, v23;
	v14 =	vadd.f32 $-1.252666120e-01, v14;
	v12 =	vld [tilespmem:s25+$0x400];
	v28 =	vadd.f32 $1.000000010e-07, v15  }
0x123: {  	v29 =	vmul.f32 $6.931471820e-01, v9;
	v9 =	vmovc v16;
	v15 =	vld [tilespmem:s25+$0x2C00];
	v19 =	vadd.f32 $5.239402690e-09, v19;
	v20 =	vadd.f32 v25, v20  }
0x124: {  	v14 =	vmul.f32 v14, v6;
	v16 =	vld [tilespmem:s25+$0x3400];
	v31 =	vadd.f32 v17, v10;
	v25 =	vand.u32 $0x7FFFFF, v28  }
0x125: {  	v30 =	vadd.f32 v22, v21;
	v22 =	vmin.f32 v22, v13;
	v19 =	vadd.f32 v19, v29  }
0x126: {  	v20 =	vnsel vm6, $0x0, v20;
	v13 =	vadd.f32 v13, v26;
	v21 =	vmin.f32 v21, v26  }
0x127: {  	v14 =	vadd.f32 $1.846884790e-01, v14;
	vm5 =	veq.f32 v12, $1.000000000e+00;
	v12 =	vmul.f32 v30, v31;
	v17 =	vpop (erf)  }
0x128: {  	v25 =	vor.u32 $0x3F800000, v25;
	v21 =	vadd.f32 v22, v21;
	v22 =	vadd.f32 $1.000000010e-07, v17  }
0x129: {  	v2 =	vadd.f32 v20, v2;
	v23 =	vadd.f32 v23, v16;
	v16 =	vmin.f32 v10, v16  }
0x12a: {  	v18 =	vadd.f32 $-2.463566060e-01, v18;
	v20 =	vsub.f32 $0.0e+00, v15;
	v21 =	vmax.f32 v21, $0.0e+00  }
0x12b: {  	v14 =	vmul.f32 v14, v6;
	v10 =	vadd.f32 $-1.000000000e+00, v25;
	v13 =	vmul.f32 v13, v23  }
0x12c: {  	v18 =	vmul.f32 v18, v5;
	v15 =	vsel vm5, v15, v20;
	v16 =	vadd.f32 v27, v16  }
0x12d: {  	v19 =	vmul.f32 v19, v24;
	v15 =	vsub.f32 $0.0e+00, v15;
	v13 =	vmax.f32 v13, $0.0e+00  }
0x12e: {  	v16 =	vmax.f32 v16, $0.0e+00;
	v12 =	vadd.f32 v13, v12;
	v13 =	vmul.f32 $3.752624150e-03, v10  }
0x12f: {  	v14 =	vadd.f32 $-2.463566060e-01, v14;
	v20 =	vmul.f32 $1.442695020e+00, v15;
	v15 =	vmul.f32 v21, v16  }
0x130: {  	v4 =	vadd.f32 v19, v4;
	v16 =	vand.u32 $0x7FFFFF, v22;
	v13 =	vadd.f32 $-2.303827930e-02, v13  }
0x131: {  	v18 =	vadd.f32 $3.328184190e-01, v18;
	v12 =	vsub.f32 v12, v15;
	(erf) = vpow2.f32 v20  }
0x132: {  	v14 =	vmul.f32 v14, v6;
	v19 =	vor.u32 $0x3F800000, v16;
	v13 =	vmul.f32 v13, v10  }
0x133: {  	v18 =	vmul.f32 v18, v5;
	v20 =	vadd.f32 $1.000000010e-07, v12;
	v12 =	vshrl.u32 v22, $0x17  }
.Ltmp1:
0x134: {  	v16 =	vadd.s32 $0xFFFFFF81, v12;
	v12 =	vadd.f32 $-1.000000000e+00, v19;
	v13 =	vadd.f32 $6.651248040e-02, v13;
	(pc) =	sbr.rel @p0 .LBB2_4-.Ltmp1, $4  }
0x135: {  	v18 =	vadd.f32 $-4.999622400e-01, v18;
	v14 =	vadd.f32 $3.328184190e-01, v14;
	(erf) = vrcp.f32 v20  }
0x136: {  	v17 =	vsub.f32 $1.000000000e+00, v17;
	v20 =	vmul.f32 $3.752624150e-03, v12;
	v22 =	vmul.f32 v13, v10  }
0x137: {  	v21 =	vmul.f32 v14, v6;
	v19 =	vmul.f32 v18, v5;
	v13 =	vsel vm5, $0x3F800000, v0  }
0x138: {  	v14 =	vshrl.u32 v28, $0x17;
	v20 =	vadd.f32 $-2.303827930e-02, v20;
	v18 =	vadd.f32 $-1.252666120e-01, v22  }
0x139: {  	_ = 	snop  }
0x13a: {  	v22 =	vpop (erf)  }
0x13b: {  	v22 =	vadd.f32 $1.000000000e+00, v22;
	_ =	sdelay $0x1  }
0x13c: {  	(erf) = vrcp.f32 v22;
	_ =	sdelay $0x7  }
0x13d: {  	v34 =	vpop (erf)  }
0x13e: {  	v35 =	vpop (erf)  }
0x13f: {  	v15 =	vmul.f32 v34, v15;
	v23 =	vadd.f32 $1.000000010e-07, v35;
	_ =	sdelay $0x1  }
0x140: {  	v21 =	vadd.f32 $-4.999622400e-01, v21;
	v15 =	vadd.f32 $1.000000010e-07, v15;
	v24 =	vand.u32 $0x7FFFFF, v23  }
0x141: {  	v24 =	vor.u32 $0x3F800000, v24  }
0x142: {  	v21 =	vmul.f32 v21, v6;
	v25 =	vand.u32 $0x7FFFFF, v15;
	v24 =	vadd.f32 $-1.000000000e+00, v24  }
0x143: {  	v25 =	vor.u32 $0x3F800000, v25  }
0x144: {  	v21 =	vadd.f32 $9.999989270e-01, v21;
	v25 =	vadd.f32 $-1.000000000e+00, v25;
	v37 =	vmul.f32 $3.752624150e-03, v24  }
0x145: {  	v19 =	vadd.f32 $9.999989270e-01, v19;
	v20 =	vmul.f32 v20, v12  }
0x146: {  	v36 =	vmul.f32 v21, v6;
	v26 =	vmul.f32 $3.752624150e-03, v25;
	v21 =	vadd.f32 $-2.303827930e-02, v37  }
0x147: {  	v9 =	vmul.f32 $6.931471820e-01, v9;
	v8 =	vmul.f32 v8, v11;
	v38 =	vadd.f32 $6.651248040e-02, v20  }
0x148: {  	v6 =	vadd.f32 $5.239402690e-09, v36;
	v39 =	vadd.f32 $-2.303827930e-02, v26;
	v40 =	vmul.f32 v21, v24  }
0x149: {  	v7 =	vadd.s32 $0xFFFFFF81, v7;
	v17 =	vmul.f32 v17, v17;
	v11 =	vmul.f32 v38, v12  }
0x14a: {  	v6 =	vadd.f32 v6, v9;
	v41 =	vmul.f32 v39, v25;
	v9 =	vadd.f32 $6.651248040e-02, v40  }
0x14b: {  	v16 =	vcvt.s32.f32 v16;
	vm6 =	vmmov vm4;
	v11 =	vadd.f32 $-1.252666120e-01, v11  }
0x14c: {  	v42 =	vmul.f32 v18, v10;
	v43 =	vadd.f32 $6.651248040e-02, v41;
	v9 =	vmul.f32 v9, v24  }
0x14d: {  	vm3 =	vmmov vm3;
	v11 =	vmul.f32 v11, v12;
	v6 =	vmul.f32 v6, v8  }
0x14e: {  	v8 =	vadd.f32 $1.846884790e-01, v42;
	v18 =	vmul.f32 v43, v25;
	v9 =	vadd.f32 $-1.252666120e-01, v9  }
0x14f: {  	v7 =	vcvt.s32.f32 v7;
	v5 =	vmul.f32 v19, v5;
	v11 =	vadd.f32 $1.846884790e-01, v11  }
0x150: {  	v8 =	vmul.f32 v8, v10;
	v18 =	vadd.f32 $-1.252666120e-01, v18;
	v9 =	vmul.f32 v9, v24  }
0x151: {  	v7 =	vmul.f32 $6.931471820e-01, v7;
	v5 =	vadd.f32 $5.239402690e-09, v5;
	v44 =	vmul.f32 v11, v12  }
0x152: {  	v8 =	vadd.f32 $-2.463566060e-01, v8;
	v45 =	vmul.f32 v18, v25;
	v9 =	vadd.f32 $1.846884790e-01, v9  }
0x153: {  	vm15 =	vmmov vm5;
	v5 =	vadd.f32 v5, v7;
	v7 =	vadd.f32 $-2.463566060e-01, v44  }
0x154: {  	v8 =	vmul.f32 v8, v10;
	v11 =	vadd.f32 $1.846884790e-01, v45;
	v9 =	vmul.f32 v9, v24  }
0x155: {  	v51 =	vadd.s32 $0xFFFFFF81, v14;
	v48 =	vsel vm3, $0x3E800000, v1;
	v7 =	vmul.f32 v7, v12  }
0x156: {  	v8 =	vadd.f32 $3.328184190e-01, v8;
	v11 =	vmul.f32 v11, v25;
	v47 =	vadd.f32 $-2.463566060e-01, v9  }
0x157: {  	vm3 =	vmmov vm3;
	vm4 =	vmmov vm15;
	v7 =	vadd.f32 $3.328184190e-01, v7  }
0x158: {  	v46 =	vmul.f32 v8, v10;
	v11 =	vadd.f32 $-2.463566060e-01, v11;
	v8 =	vmul.f32 v47, v24  }
0x159: {  	v52 =	vsel vm4, $0x3E800000, v1;
	v53 =	vmul.f32 $6.931471820e-01, v16;
	v7 =	vmul.f32 v7, v12  }
0x15a: {  	v15 =	vshrl.u32 v15, $0x17;
	v11 =	vmul.f32 v11, v25;
	v8 =	vadd.f32 $3.328184190e-01, v8  }
0x15b: {  	v5 =	vnsel vm6, $0x0, v5;
	v54 =	vadd.s32 $0xFFFFFF81, v15;
	v7 =	vadd.f32 $-4.999622400e-01, v7  }
0x15c: {  	v14 =	vcvt.s32.f32 v54;
	v11 =	vadd.f32 $3.328184190e-01, v11;
	v8 =	vmul.f32 v8, v24  }
0x15d: {  	v4 =	vadd.f32 v6, v4;
	v6 =	vadd.f32 $-4.999622400e-01, v46;
	v7 =	vmul.f32 v7, v12  }
0x15e: {  	v50 =	vsub.f32 $1.000000000e+00, v35;
	v11 =	vmul.f32 v11, v25;
	v8 =	vadd.f32 $-4.999622400e-01, v8  }
0x15f: {  	v49 =	vshrl.u32 v23, $0x17;
	v6 =	vmul.f32 v6, v10;
	v7 =	vadd.f32 $9.999989270e-01, v7  }
0x160: {  	v19 =	vmul.f32 v50, v50;
	v11 =	vadd.f32 $-4.999622400e-01, v11;
	v8 =	vmul.f32 v8, v24  }
0x161: {  	v18 =	vadd.s32 $0xFFFFFF81, v49;
	v6 =	vadd.f32 $9.999989270e-01, v6;
	v7 =	vmul.f32 v7, v12  }
0x162: {  	v18 =	vcvt.s32.f32 v18;
	v11 =	vmul.f32 v11, v25;
	v8 =	vadd.f32 $9.999989270e-01, v8  }
0x163: {  	v6 =	vmul.f32 v6, v10;
	v10 =	vcvt.s32.f32 v51;
	v7 =	vadd.f32 $5.239402690e-09, v7  }
0x164: {  	v55 =	vmul.f32 $6.931471820e-01, v18;
	v11 =	vadd.f32 $9.999989270e-01, v11;
	v8 =	vmul.f32 v8, v24  }
0x165: {  	v6 =	vadd.f32 $5.239402690e-09, v6;
	v10 =	vmul.f32 $6.931471820e-01, v10;
	v7 =	vadd.f32 v7, v53  }
0x166: {  	v9 =	vmul.f32 v17, v48;
	v11 =	vmul.f32 v11, v25;
	v8 =	vadd.f32 $5.239402690e-09, v8  }
0x167: {  	v58 =	vmul.f32 $6.931471820e-01, v14;
	v56 =	vmul.f32 v19, v52;
	v6 =	vadd.f32 v6, v10  }
0x168: {  	v7 =	vmul.f32 v7, v9;
	v57 =	vadd.f32 $5.239402690e-09, v11;
	v8 =	vadd.f32 v8, v55  }
0x169: {  	v2 =	vadd.f32 v5, v2;
	v59 =	vnsel vm3, $0x0, v6  }
0x16a: {  	v4 =	vadd.f32 v7, v4;
	v60 =	vadd.f32 v57, v58;
	v61 =	vmul.f32 v8, v56  }
0x16b: {  	vm3 =	vmmov vm4;
	v2 =	vadd.f32 v59, v2  }
0x16c: {  	v62 =	vnsel vm3, $0x0, v60;
	v4 =	vadd.f32 v61, v4  }
0x16d: {  	v2 =	vadd.f32 v62, v2  }
0x16e: {  	v3 =	vadd.f32 v13, v3;
	(xrf2) =	vadd.scan.msk.f32 $0xffff, v4  }
0x16f: {  	(xrf2) =	vadd.scan.msk.f32 $0xffff, v2  }
0x170: {  	(xrf2) =	vadd.scan.msk.f32 $0xffff, v3;
	_ =	sdelay $0x7  }
0x171: {  	v2, _, _ =	vpop (xrf2)  }
0x172: {  	v3, _, _ =	vpop (xrf2)  }
0x173: {  	v63, _, _ =	vpop (xrf2)  }
0x174: {  	v4 =	vbroadcast v63, $0xF  }
0x175: {  	v3 =	vbroadcast v3, $0xF  }
0x176: {  	v2 =	vbroadcast v2, $0xF;
	v4 =	vnsel vm0, $0x0, v4  }
0x177: {  	s0 =	sadd.s32 $0x1, s0;
	v3 =	vsel vm1, v4, v3  }
0x178: {  	p0 =	sne.s32 s0, s8;
	v2 =	vsel vm2, v3, v2  }
.Ltmp2:
0x179: {  	[tilespmem:$0x5000] =	vst v2;
	(pc) =	sbr.rel @p0 .LBB2_1-.Ltmp2, $4  }
0x17a: {  	[hbm4b:s7+s1] =	stream.linear.scatter [tilespmem:s30], [sflag:$0x2], $0x80, $0x38;
	[tilespmem:$0x5080] =	vst v63  }
0x17b: {  	_ =	swait.ge [sflag:s31], $0x80  }
0x17c: {  	[sflag:s31] =	ssyncset.done $0x0  }
0x17d: {  	[sflag:s31] =	ssyncadd.s32 $0xFFFFFF80  }
0x17e: {  	_ =	sfence.sel $0x180000  }
0x17f: {  	[bflag:$0x0] =	sbarrier.arrive $0xFFFF  }
0x180: {  	_ =	strace $0x90000047  }
0x181: {  	s0 =	stileid.u32;
	[bflag:$0x2] =	sbarrier.arrive $0xFFFF  }
0x182: {  	p0 =	sne.s32 s0, $0x0;
	s0 =	rddreg [dreg:$0x3]  }
0x183: {  	s0 =	sadd.s32 @!p0 $0x100000, s0  }
0x184: {  	[sflag:s0] =	ssyncadd.tile.s32 @!p0 $0x1;
	_ =	shalt  }
.Lfunc_end2:
_tile_overlayer_lowered:
.L_overlay_start_2:
0x185: {  	(tag) =	ssettag $0x2  }
0x186: {  	s0 =	rddreg [dreg:$0x0];
	s2 =	stileid.u32  }
0x187: {  	s1 =	rddreg [dreg:$0x1];
	p0 =	sne.s32 s2, $0x0  }
0x188: {  	s3 =	rddreg [dreg:$0x2];
	[bflag:$0x3] =	sbarrier.arrive $0xFFFF;
	s2 =	simm.s32 @!p0 $0x1C02  }
0x189: {  	[timem:s3], [sflag:s2] =	dma.local @!p0 [hbm:s0], s1  }
0x18a: {  	s0 =	simm.s32 @!p0 $0x2  }
0x18b: {  	_ =	swait.ge @!p0 [sflag:s0], s1  }
0x18c: {  	s1 =	ssub.s32 @!p0 $0x0, s1;
	[sflag:s0] =	ssyncset.done @!p0 $0x0  }
0x18d: {  	[sflag:s0] =	ssyncadd.s32 @!p0 s1  }
0x18e: {  	[bflag:$0x3] =	sbarrier.arrive $0xFFFF  }
0x18f: {  	_ =	shalt  }

</sc_bundles>
